<compile_context>
chip_gen: v7x
topology: tpu7x:2x2x1
jax: 0.10.2.dev20260603
libtpu: 0.0.44.dev20260713+nightly
codegen_flags: <defaults>
</compile_context>

<pallas_src>
import functools

import jax
import jax.numpy as jnp
from jax import lax
from jax.experimental import pallas as pl
from jax.experimental.pallas import tpu as pltpu
from jax.experimental.pallas import tpu_sc as plsc

_N = 10000
_E = 320000
_F = 128
_H = 64
_C = 10
_K = 3
_D = 2

_NC = 2
_NS = 16
_NW = _NC * _NS
_CH = 128
_CPW = 79
_EW = _CH * _CPW
_EP = _EW * _NW
_WC = 16
_RPT = _N // _NS
_RB = 125


def _bcast_lane(v, k):
  idx = jnp.full((16, 1), k, jnp.int32)
  dn = lax.GatherDimensionNumbers(
      offset_dims=(), collapsed_slice_dims=(0,), start_index_map=(0,))
  return lax.gather(v, idx, dn, (1,),
                    mode=lax.GatherScatterMode.PROMISE_IN_BOUNDS)


def _sc_edge_aggregate(feats, src3, dst3, w3, fw, woff, aggw, with_cnt):
  mesh = plsc.VectorSubcoreMesh(core_axis_name="c", subcore_axis_name="s")
  out_w = fw // _K
  nob = out_w // 16
  nmsg = aggw // 16

  def body(f_hbm, src_hbm, dst_hbm, w_hbm, out_hbm,
           src_v, dst_v, w_v, rows_v, msg_v, agg_sh, sem):
    cid = lax.axis_index("c")
    sid = lax.axis_index("s")
    wid = cid * _NS + sid
    onehot0 = jnp.where(lax.iota(jnp.int32, 16) == 0,
                        jnp.float32(1.0), jnp.float32(0.0))

    def zrow(i, carry):
      for j in range(nmsg):
        msg_v[i, pl.ds(j * 16, 16)] = jnp.zeros((16,), jnp.float32)
      return carry
    lax.fori_loop(0, _RB, zrow, 0)
    base = sid * _RPT
    for r in range(_RPT // _RB):
      pltpu.sync_copy(msg_v.at[pl.ds(0, _RB)],
                      agg_sh.at[pl.ds(base + r * _RB, _RB)])
    plsc.subcore_barrier()

    pltpu.sync_copy(src_hbm.at[wid], src_v)
    pltpu.sync_copy(dst_hbm.at[wid], dst_v)

    def chunk(c, carry):
      pltpu.async_copy(f_hbm.at[src_v.at[c]], rows_v, sem).wait()
      pltpu.sync_copy(w_hbm.at[wid, c], w_v)

      def edge(e, carry2):
        wv = w_v[e, :]
        wk = [_bcast_lane(wv, woff + t) for t in range(_K)]
        for j in range(nob):
          acc = wk[0] * rows_v[e, pl.ds(j * 16, 16)]
          for t in range(1, _K):
            acc = acc + wk[t] * rows_v[e, pl.ds(t * out_w + j * 16, 16)]
          msg_v[e, pl.ds(j * 16, 16)] = acc
        if with_cnt:
          wc = _bcast_lane(wv, 3)
          msg_v[e, pl.ds(out_w, 16)] = wc * onehot0
        return carry2

      lax.fori_loop(0, _CH, edge, 0)
      pltpu.sync_copy(msg_v, agg_sh.at[dst_v.at[c]], add=True)
      return carry

    lax.fori_loop(0, _CPW, chunk, 0)
    plsc.subcore_barrier()
    for r in range(_RPT // _RB):
      off = base + r * _RB
      pltpu.sync_copy(agg_sh.at[pl.ds(off, _RB)],
                      out_hbm.at[cid, pl.ds(off, _RB)])

  f = pl.kernel(
      body,
      out_type=jax.ShapeDtypeStruct((_NC, _N, aggw), jnp.float32),
      mesh=mesh,
      compiler_params=pltpu.CompilerParams(use_tc_tiling_on_sc=False),
      scratch_types=[
          pltpu.VMEM((_CPW, _CH), jnp.int32),
          pltpu.VMEM((_CPW, _CH), jnp.int32),
          pltpu.VMEM((_CH, _WC), jnp.float32),
          pltpu.VMEM((_CH, fw), jnp.float32),
          pltpu.VMEM((_CH, aggw), jnp.float32),
          pltpu.VMEM_SHARED((_N, aggw), jnp.float32),
          pltpu.SemaphoreType.DMA,
      ],
  )
  return f(feats, src3, dst3, w3)


def _tc_mm1(x, g1, root1):
  blk = 1000

  def body(x_ref, g_ref, r_ref, xg_ref, xr_ref):
    xb = x_ref[...]
    xg_ref[...] = jnp.dot(xb, g_ref[...], preferred_element_type=jnp.float32)
    xr_ref[...] = jnp.dot(xb, r_ref[...], preferred_element_type=jnp.float32)

  return pl.pallas_call(
      body,
      grid=(_N // blk,),
      in_specs=[
          pl.BlockSpec((blk, _F), lambda i: (i, 0)),
          pl.BlockSpec((_F, _H * _K), lambda i: (0, 0)),
          pl.BlockSpec((_F, _H), lambda i: (0, 0)),
      ],
      out_specs=[
          pl.BlockSpec((blk, _H * _K), lambda i: (i, 0)),
          pl.BlockSpec((blk, _H), lambda i: (i, 0)),
      ],
      out_shape=[
          jax.ShapeDtypeStruct((_N, _H * _K), jnp.float32),
          jax.ShapeDtypeStruct((_N, _H), jnp.float32),
      ],
  )(x, g1, root1)


def _tc_weights(eap, q):
  blk = 2048

  def body(ea_ref, q_ref, w_ref):
    ea = ea_ref[...]
    ea0 = ea[:, 0:1]
    ea1 = ea[:, 1:2]
    qq = q_ref[...]
    logw = ((ea0 * ea0) * qq[0:1] + (ea1 * ea1) * qq[1:2]
            + ea0 * qq[2:3] + ea1 * qq[3:4] + qq[4:5])
    w = jnp.exp(logw)
    row = (pl.program_id(0) * blk
           + lax.broadcasted_iota(jnp.int32, (blk, _WC), 0))
    w_ref[...] = jnp.where(row < _E, w, 0.0)

  return pl.pallas_call(
      body,
      grid=(_EP // blk,),
      in_specs=[
          pl.BlockSpec((blk, _D), lambda i: (i, 0)),
          pl.BlockSpec((8, _WC), lambda i: (0, 0)),
      ],
      out_specs=pl.BlockSpec((blk, _WC), lambda i: (i, 0)),
      out_shape=jax.ShapeDtypeStruct((_EP, _WC), jnp.float32),
  )(eap, q)


def _tc_combine1(p, xr, b1, g2p, r2p):
  blk = 1000

  def body(p_ref, xr_ref, b_ref, g_ref, r_ref, hg_ref, hr_ref, cnt_ref):
    s = p_ref[0] + p_ref[1]
    cnt = jnp.maximum(s[:, _H:_H + 1], 1.0)
    pre = s[:, :_H] / cnt + xr_ref[...] + b_ref[...]
    h = jnp.where(pre > 0, pre, jnp.exp(jnp.minimum(pre, 0.0)) - 1.0)
    hg_ref[...] = jnp.dot(h, g_ref[...], preferred_element_type=jnp.float32)
    hr_ref[...] = jnp.dot(h, r_ref[...], preferred_element_type=jnp.float32)
    cnt_ref[...] = jnp.broadcast_to(cnt, (blk, 16))

  return pl.pallas_call(
      body,
      grid=(_N // blk,),
      in_specs=[
          pl.BlockSpec((_NC, blk, _H + 16), lambda i: (0, i, 0)),
          pl.BlockSpec((blk, _H), lambda i: (i, 0)),
          pl.BlockSpec((1, _H), lambda i: (0, 0)),
          pl.BlockSpec((_H, _K * 16), lambda i: (0, 0)),
          pl.BlockSpec((_H, 16), lambda i: (0, 0)),
      ],
      out_specs=[
          pl.BlockSpec((blk, _K * 16), lambda i: (i, 0)),
          pl.BlockSpec((blk, 16), lambda i: (i, 0)),
          pl.BlockSpec((blk, 16), lambda i: (i, 0)),
      ],
      out_shape=[
          jax.ShapeDtypeStruct((_N, _K * 16), jnp.float32),
          jax.ShapeDtypeStruct((_N, 16), jnp.float32),
          jax.ShapeDtypeStruct((_N, 16), jnp.float32),
      ],
  )(p, xr, b1, g2p, r2p)


def _tc_combine2(q, hr, cnt16, b2):
  blk = 1000

  def body(q_ref, hr_ref, c_ref, b_ref, o_ref):
    s = q_ref[0] + q_ref[1]
    o = s / c_ref[...] + hr_ref[...] + b_ref[...]
    valid = lax.broadcasted_iota(jnp.int32, (blk, 16), 1) < _C
    om = jnp.where(valid, o, -1e30)
    m = jnp.max(om, axis=1, keepdims=True)
    z = jnp.where(valid, jnp.exp(o - m), 0.0)
    lse = jnp.log(jnp.sum(z, axis=1, keepdims=True))
    o_ref[...] = o - m - lse

  return pl.pallas_call(
      body,
      grid=(_N // blk,),
      in_specs=[
          pl.BlockSpec((_NC, blk, 16), lambda i: (0, i, 0)),
          pl.BlockSpec((blk, 16), lambda i: (i, 0)),
          pl.BlockSpec((blk, 16), lambda i: (i, 0)),
          pl.BlockSpec((1, 16), lambda i: (0, 0)),
      ],
      out_specs=pl.BlockSpec((blk, 16), lambda i: (i, 0)),
      out_shape=jax.ShapeDtypeStruct((_N, 16), jnp.float32),
  )(q, hr, cnt16, b2)


def _mixture_coeffs(mu, sigma):
  s2 = sigma * sigma + 1e-14
  a2 = -0.5 / s2
  a1 = mu / s2
  a0 = -0.5 * jnp.sum(mu * mu / s2, axis=1)
  return jnp.stack([a2[:, 0], a2[:, 1], a1[:, 0], a1[:, 1], a0], axis=0)


def kernel(x, edge_index, edge_attr, mu1, sigma1, g1, root1, bias1,
           mu2, sigma2, g2, root2, bias2):
  q1 = _mixture_coeffs(mu1, sigma1)
  q2 = _mixture_coeffs(mu2, sigma2)
  tail = jnp.zeros((5, _WC - 2 * _K - 1), jnp.float32).at[4].set(-1e30)
  qtop = jnp.concatenate(
      [q1, jnp.zeros((5, 1), jnp.float32), q2, tail], axis=1)
  q = jnp.concatenate([qtop, jnp.zeros((3, _WC), jnp.float32)], axis=0)

  pad = _EP - _E
  src3 = jnp.concatenate(
      [edge_index[0], jnp.zeros((pad,), jnp.int32)]).reshape(_NW, _CPW, _CH)
  dst3 = jnp.concatenate(
      [edge_index[1], jnp.zeros((pad,), jnp.int32)]).reshape(_NW, _CPW, _CH)
  eap = jnp.concatenate([edge_attr, jnp.zeros((pad, _D), jnp.float32)])

  g2p = jnp.zeros((_H, _K, 16), jnp.float32).at[:, :, :_C].set(
      g2.reshape(_H, _K, _C)).reshape(_H, _K * 16)
  r2p = jnp.zeros((_H, 16), jnp.float32).at[:, :_C].set(root2)
  b2p = jnp.zeros((1, 16), jnp.float32).at[0, :_C].set(bias2)
  b1p = bias1.reshape(1, _H)

  w = _tc_weights(eap, q).reshape(_NW, _CPW, _CH, _WC)
  xg, xr = _tc_mm1(x, g1, root1)
  p1 = _sc_edge_aggregate(xg, src3, dst3, w, _H * _K, 0, _H + 16, True)
  hg, hr, cnt16 = _tc_combine1(p1, xr, b1p, g2p, r2p)
  p2 = _sc_edge_aggregate(hg, src3, dst3, w, _K * 16, 4, 16, False)
  out16 = _tc_combine2(p2, hr, cnt16, b2p)
  return out16[:, :_C]

# --- scband reference (transcript-rebuilt; emitter-appended) ---
"""Pipeline reference for scband-mo-net-33303176413655 (READ-ONLY COPY).

The authoritative reference and input builder live on the scoring server;
editing this copy changes nothing except your own understanding.
"""

import jax, jax.numpy as jnp
import numpy as np

N = 10000
E = 320000
F_IN = 128
HID = 64
C = 10
K = 3
D = 2


def setup_inputs(seed: int = 0) -> dict:
    key = jax.random.key(seed)
    ks = jax.random.split(key, 16)
    x = jax.random.normal(ks[0], (N, F_IN), jnp.float32)
    edge_index = jax.random.randint(ks[1], (2, E), 0, N, dtype=jnp.int32)
    edge_attr = jax.random.uniform(ks[2], (E, D), jnp.float32)
    mu1 = jax.random.normal(ks[3], (K, D), jnp.float32) * 0.1
    sigma1 = jnp.ones((K, D), jnp.float32) + jax.random.uniform(ks[4], (K, D), jnp.float32) * 0.1
    g1 = jax.random.normal(ks[5], (F_IN, HID * K), jnp.float32) * (1.0 / np.sqrt(F_IN))
    root1 = jax.random.normal(ks[6], (F_IN, HID), jnp.float32) * (1.0 / np.sqrt(F_IN))
    bias1 = jnp.zeros((HID,), jnp.float32)
    mu2 = jax.random.normal(ks[7], (K, D), jnp.float32) * 0.1
    sigma2 = jnp.ones((K, D), jnp.float32) + jax.random.uniform(ks[8], (K, D), jnp.float32) * 0.1
    g2 = jax.random.normal(ks[9], (HID, C * K), jnp.float32) * (1.0 / np.sqrt(HID))
    root2 = jax.random.normal(ks[10], (HID, C), jnp.float32) * (1.0 / np.sqrt(HID))
    bias2 = jnp.zeros((C,), jnp.float32)
    return {"x": x, "edge_index": edge_index, "edge_attr": edge_attr,
            "mu1": mu1, "sigma1": sigma1, "g1": g1, "root1": root1, "bias1": bias1,
            "mu2": mu2, "sigma2": sigma2, "g2": g2, "root2": root2, "bias2": bias2}


def _gmm_conv(x, edge_index, edge_attr, mu, sigma, g, root, bias):
    # Faithful GMMConv (PyG semantics): messages from src, mean-aggregated at dst,
    # Gaussian mixture weights over edge pseudo-coordinates, plus root weight and bias.
    src = edge_index[0]
    dst = edge_index[1]
    n = x.shape[0]
    k = mu.shape[0]
    out_ch = g.shape[1] // k
    xg = x @ g                                  # [N, K*out]
    xj = xg[src].reshape(-1, k, out_ch)         # gather per edge -> [E, K, out]
    diff = edge_attr[:, None, :] - mu[None, :, :]           # [E, K, D]
    w = jnp.exp(-0.5 * jnp.sum(diff * diff / (sigma[None] * sigma[None] + 1e-14), axis=-1))  # [E, K]
    msg = jnp.sum(xj * w[:, :, None], axis=1)   # [E, out]
    agg = jax.ops.segment_sum(msg, dst, num_segments=n)
    cnt = jax.ops.segment_sum(jnp.ones((msg.shape[0], 1), msg.dtype), dst, num_segments=n)
    agg = agg / jnp.maximum(cnt, 1.0)           # aggr='mean'
    return agg + x @ root + bias


def reference(x, edge_index, edge_attr, mu1, sigma1, g1, root1, bias1, mu2, sigma2, g2, root2, bias2):
    # dropout is identity in eval mode
    h = jax.nn.elu(_gmm_conv(x, edge_index, edge_attr, mu1, sigma1, g1, root1, bias1))
    out = _gmm_conv(h, edge_index, edge_attr, mu2, sigma2, g2, root2, bias2)
    return jax.nn.log_softmax(out, axis=1)

if __name__ == "__main__":
    import jax
    _d = setup_inputs()
    print(jax.jit(kernel)(*tuple(_d.values())))

</pallas_src>

<mosaic_0001>
#map = affine_map<(d0, d1) -> (0, 0)>
#map1 = affine_map<(d0, d1) -> (0, 0, 0)>
#map2 = affine_map<(d0, d1) -> (0, 0, 0, 0)>
module attributes {stable_mosaic.version = 14 : i64} {
  func.func @body(%arg0: i32, %arg1: i32, %arg2: memref<10000x192xf32, #tpu.memory_space<hbm>>, %arg3: memref<32x79x128xi32, #tpu.memory_space<hbm>>, %arg4: memref<32x79x128xi32, #tpu.memory_space<hbm>>, %arg5: memref<32x79x128x16xf32, #tpu.memory_space<hbm>>, %arg6: memref<2x10000x80xf32, #tpu.memory_space<hbm>>, %arg7: memref<79x128xi32, #tpu.memory_space<vmem>>, %arg8: memref<79x128xi32, #tpu.memory_space<vmem>>, %arg9: memref<128x16xf32, #tpu.memory_space<vmem>>, %arg10: memref<128x192xf32, #tpu.memory_space<vmem>>, %arg11: memref<128x80xf32, #tpu.memory_space<vmem>>, %arg12: memref<10000x80xf32, #tpu.memory_space<vmem_shared>>, %arg13: memref<!tpu.dma_semaphore, #tpu.memory_space<semaphore_mem>>) attributes {dimension_semantics = [#tpu.dimension_semantics<core_parallel>, #tpu.dimension_semantics<subcore_parallel>], iteration_bounds = array<i64: 2, 16>, scalar_prefetch = 0 : i64, scratch_operands = 7 : i64, tpu.core_type = #tpu.core_type<sc_vector_subcore>, window_params = [{transform_indices = #map}, {transform_indices = #map1}, {transform_indices = #map1}, {transform_indices = #map2}, {transform_indices = #map1}]} {
    %mul3A = arith.constant 16 : i32
    %mul3A_0 = arith.muli %arg0, %mul3A : i32
    %add3A = arith.addi %mul3A_0, %arg1 : i32
    %iota3A = tpu.iota {dimensions = array<i32: 0>} : vector<16xi32>
    %eq3A = arith.constant 0 : i32
    %eq3A_1 = vector.broadcast %eq3A : i32 to vector<16xi32>
    %eq3A_2 = arith.cmpi eq, %iota3A, %eq3A_1 : vector<16xi32>
    %jit3A = arith.constant 1.000000e+00 : f32
    %jit3A_3 = arith.constant 0.000000e+00 : f32
    %broadcast_in_dim3A = vector.broadcast %jit3A : f32 to vector<16xf32>
    %broadcast_in_dim3A_4 = vector.broadcast %jit3A_3 : f32 to vector<16xf32>
    %select_n3A = arith.select %eq3A_2, %broadcast_in_dim3A, %broadcast_in_dim3A_4 : vector<16xi1>, vector<16xf32>
    %scan3A = arith.constant 0 : i32
    %scan3A_5 = arith.constant 0 : i32
    %scan3A_6 = arith.constant 125 : i32
    %scan3A_7 = arith.addi %scan3A_5, %scan3A_6 : i32
    %scan3A_8 = arith.constant 1 : i32
    scf.for %scan3A_39 = %scan3A_5 to %scan3A_7 step %scan3A_8  : i32 {
      %broadcast_in_dim3A_40 = arith.constant 0.000000e+00 : f32
      %broadcast_in_dim3A_41 = vector.broadcast %broadcast_in_dim3A_40 : f32 to vector<16xf32>
      %swap3A = arith.index_cast %scan3A_39 : i32 to index
      %swap3A_42 = arith.constant 0 : index
      %swap3A_43 = tpu.vector_load %arg11[%swap3A, %swap3A_42] {strides = array<i32>} : memref<128x80xf32, #tpu.memory_space<vmem>>, vector<1x16xf32>,
      %swap3A_44 = vector.shape_cast %swap3A_43 : vector<1x16xf32> to vector<16xf32>
      %swap3A_45 = vector.shape_cast %broadcast_in_dim3A_41 : vector<16xf32> to vector<1x16xf32>
      tpu.vector_store %arg11[%swap3A, %swap3A_42], %swap3A_45 {strides = array<i32>} : memref<128x80xf32, #tpu.memory_space<vmem>>, vector<1x16xf32>,
      %broadcast_in_dim3A_46 = arith.constant 0.000000e+00 : f32
      %broadcast_in_dim3A_47 = vector.broadcast %broadcast_in_dim3A_46 : f32 to vector<16xf32>
      %swap3A_48 = arith.index_cast %scan3A_39 : i32 to index
      %swap3A_49 = arith.constant 16 : index
      %swap3A_50 = tpu.vector_load %arg11[%swap3A_48, %swap3A_49] {strides = array<i32>} : memref<128x80xf32, #tpu.memory_space<vmem>>, vector<1x16xf32>,
      %swap3A_51 = vector.shape_cast %swap3A_50 : vector<1x16xf32> to vector<16xf32>
      %swap3A_52 = vector.shape_cast %broadcast_in_dim3A_47 : vector<16xf32> to vector<1x16xf32>
      tpu.vector_store %arg11[%swap3A_48, %swap3A_49], %swap3A_52 {strides = array<i32>} : memref<128x80xf32, #tpu.memory_space<vmem>>, vector<1x16xf32>,
      %broadcast_in_dim3A_53 = arith.constant 0.000000e+00 : f32
      %broadcast_in_dim3A_54 = vector.broadcast %broadcast_in_dim3A_53 : f32 to vector<16xf32>
      %swap3A_55 = arith.index_cast %scan3A_39 : i32 to index
      %swap3A_56 = arith.constant 32 : index
      %swap3A_57 = tpu.vector_load %arg11[%swap3A_55, %swap3A_56] {strides = array<i32>} : memref<128x80xf32, #tpu.memory_space<vmem>>, vector<1x16xf32>,
      %swap3A_58 = vector.shape_cast %swap3A_57 : vector<1x16xf32> to vector<16xf32>
      %swap3A_59 = vector.shape_cast %broadcast_in_dim3A_54 : vector<16xf32> to vector<1x16xf32>
      tpu.vector_store %arg11[%swap3A_55, %swap3A_56], %swap3A_59 {strides = array<i32>} : memref<128x80xf32, #tpu.memory_space<vmem>>, vector<1x16xf32>,
      %broadcast_in_dim3A_60 = arith.constant 0.000000e+00 : f32
      %broadcast_in_dim3A_61 = vector.broadcast %broadcast_in_dim3A_60 : f32 to vector<16xf32>
      %swap3A_62 = arith.index_cast %scan3A_39 : i32 to index
      %swap3A_63 = arith.constant 48 : index
      %swap3A_64 = tpu.vector_load %arg11[%swap3A_62, %swap3A_63] {strides = array<i32>} : memref<128x80xf32, #tpu.memory_space<vmem>>, vector<1x16xf32>,
      %swap3A_65 = vector.shape_cast %swap3A_64 : vector<1x16xf32> to vector<16xf32>
      %swap3A_66 = vector.shape_cast %broadcast_in_dim3A_61 : vector<16xf32> to vector<1x16xf32>
      tpu.vector_store %arg11[%swap3A_62, %swap3A_63], %swap3A_66 {strides = array<i32>} : memref<128x80xf32, #tpu.memory_space<vmem>>, vector<1x16xf32>,
      %broadcast_in_dim3A_67 = arith.constant 0.000000e+00 : f32
      %broadcast_in_dim3A_68 = vector.broadcast %broadcast_in_dim3A_67 : f32 to vector<16xf32>
      %swap3A_69 = arith.index_cast %scan3A_39 : i32 to index
      %swap3A_70 = arith.constant 64 : index
      %swap3A_71 = tpu.vector_load %arg11[%swap3A_69, %swap3A_70] {strides = array<i32>} : memref<128x80xf32, #tpu.memory_space<vmem>>, vector<1x16xf32>,
      %swap3A_72 = vector.shape_cast %swap3A_71 : vector<1x16xf32> to vector<16xf32>
      %swap3A_73 = vector.shape_cast %broadcast_in_dim3A_68 : vector<16xf32> to vector<1x16xf32>
      tpu.vector_store %arg11[%swap3A_69, %swap3A_70], %swap3A_73 {strides = array<i32>} : memref<128x80xf32, #tpu.memory_space<vmem>>, vector<1x16xf32>,
    }
    %scan3A_9 = arith.constant 125 : i32
    %mul3A_10 = arith.constant 625 : i32
    %mul3A_11 = arith.muli %arg1, %mul3A_10 : i32
    %add3A_12 = arith.constant 0 : i32
    %add3A_13 = arith.addi %mul3A_11, %add3A_12 : i32
    "tpu.region"() ({
      %run_scoped3A = tpu.sem_alloc : memref<!tpu.dma_semaphore, #tpu.memory_space<semaphore_mem>>
      %dma_start3A = arith.constant 0 : i32
      %dma_start3A_39 = arith.constant 0 : i32
      %dma_start3A_40 = tpu.memref_slice %arg11[%dma_start3A, %dma_start3A_39] : memref<128x80xf32, #tpu.memory_space<vmem>> -> memref<125x80xf32, #tpu.memory_space<vmem>>
      %dma_start3A_41 = arith.constant 0 : i32
      %dma_start3A_42 = tpu.memref_slice %arg12[%add3A_13, %dma_start3A_41] : memref<10000x80xf32, #tpu.memory_space<vmem_shared>> -> memref<125x80xf32, #tpu.memory_space<vmem_shared>>
      %dma_start3A_43 = arith.constant 0 : i32
      %dma_start3A_44 = tpu.memref_slice %arg12[%add3A_13, %dma_start3A_43] : memref<10000x80xf32, #tpu.memory_space<vmem_shared>> -> memref<125x80xf32, #tpu.memory_space<vmem_shared>>
      %dma_start3A_45 = arith.constant 0 : i32
      %dma_start3A_46 = arith.constant 0 : i32
      %dma_start3A_47 = tpu.memref_slice %arg11[%dma_start3A_45, %dma_start3A_46] : memref<128x80xf32, #tpu.memory_space<vmem>> -> memref<125x80xf32, #tpu.memory_space<vmem>>
      tpu.enqueue_dma source(%dma_start3A_47 : memref<125x80xf32, #tpu.memory_space<vmem>>) target(%dma_start3A_44 : memref<125x80xf32, #tpu.memory_space<vmem_shared>>) target_semaphore(%run_scoped3A : memref<!tpu.dma_semaphore, #tpu.memory_space<semaphore_mem>>)
      %dma_wait3A = arith.constant 0 : i32
      %dma_wait3A_48 = arith.constant 0 : i32
      %dma_wait3A_49 = tpu.memref_slice %arg11[%dma_wait3A, %dma_wait3A_48] : memref<128x80xf32, #tpu.memory_space<vmem>> -> memref<125x80xf32, #tpu.memory_space<vmem>>
      %dma_wait3A_50 = arith.constant 0 : i32
      %dma_wait3A_51 = tpu.memref_slice %arg12[%add3A_13, %dma_wait3A_50] : memref<10000x80xf32, #tpu.memory_space<vmem_shared>> -> memref<125x80xf32, #tpu.memory_space<vmem_shared>>
      %dma_wait3A_52 = arith.constant 0 : i32
      %dma_wait3A_53 = tpu.memref_slice %arg12[%add3A_13, %dma_wait3A_52] : memref<10000x80xf32, #tpu.memory_space<vmem_shared>> -> memref<125x80xf32, #tpu.memory_space<vmem_shared>>
      %dma_wait3A_54 = arith.constant 0 : i32
      %dma_wait3A_55 = arith.constant 0 : i32
      %dma_wait3A_56 = tpu.memref_slice %arg11[%dma_wait3A_54, %dma_wait3A_55] : memref<128x80xf32, #tpu.memory_space<vmem>> -> memref<125x80xf32, #tpu.memory_space<vmem>>
      tpu.wait_dma2 semaphore(%run_scoped3A : memref<!tpu.dma_semaphore, #tpu.memory_space<semaphore_mem>>) src(%dma_wait3A_56 : memref<125x80xf32, #tpu.memory_space<vmem>>) dst(%dma_wait3A_53 : memref<125x80xf32, #tpu.memory_space<vmem_shared>>)
      tpu.yield
    }) : () -> ()
    %add3A_14 = arith.constant 125 : i32
    %add3A_15 = arith.addi %mul3A_11, %add3A_14 : i32
    "tpu.region"() ({
      %run_scoped3A = tpu.sem_alloc : memref<!tpu.dma_semaphore, #tpu.memory_space<semaphore_mem>>
      %dma_start3A = arith.constant 0 : i32
      %dma_start3A_39 = arith.constant 0 : i32
      %dma_start3A_40 = tpu.memref_slice %arg11[%dma_start3A, %dma_start3A_39] : memref<128x80xf32, #tpu.memory_space<vmem>> -> memref<125x80xf32, #tpu.memory_space<vmem>>
      %dma_start3A_41 = arith.constant 0 : i32
      %dma_start3A_42 = tpu.memref_slice %arg12[%add3A_15, %dma_start3A_41] : memref<10000x80xf32, #tpu.memory_space<vmem_shared>> -> memref<125x80xf32, #tpu.memory_space<vmem_shared>>
      %dma_start3A_43 = arith.constant 0 : i32
      %dma_start3A_44 = tpu.memref_slice %arg12[%add3A_15, %dma_start3A_43] : memref<10000x80xf32, #tpu.memory_space<vmem_shared>> -> memref<125x80xf32, #tpu.memory_space<vmem_shared>>
      %dma_start3A_45 = arith.constant 0 : i32
      %dma_start3A_46 = arith.constant 0 : i32
      %dma_start3A_47 = tpu.memref_slice %arg11[%dma_start3A_45, %dma_start3A_46] : memref<128x80xf32, #tpu.memory_space<vmem>> -> memref<125x80xf32, #tpu.memory_space<vmem>>
      tpu.enqueue_dma source(%dma_start3A_47 : memref<125x80xf32, #tpu.memory_space<vmem>>) target(%dma_start3A_44 : memref<125x80xf32, #tpu.memory_space<vmem_shared>>) target_semaphore(%run_scoped3A : memref<!tpu.dma_semaphore, #tpu.memory_space<semaphore_mem>>)
      %dma_wait3A = arith.constant 0 : i32
      %dma_wait3A_48 = arith.constant 0 : i32
      %dma_wait3A_49 = tpu.memref_slice %arg11[%dma_wait3A, %dma_wait3A_48] : memref<128x80xf32, #tpu.memory_space<vmem>> -> memref<125x80xf32, #tpu.memory_space<vmem>>
      %dma_wait3A_50 = arith.constant 0 : i32
      %dma_wait3A_51 = tpu.memref_slice %arg12[%add3A_15, %dma_wait3A_50] : memref<10000x80xf32, #tpu.memory_space<vmem_shared>> -> memref<125x80xf32, #tpu.memory_space<vmem_shared>>
      %dma_wait3A_52 = arith.constant 0 : i32
      %dma_wait3A_53 = tpu.memref_slice %arg12[%add3A_15, %dma_wait3A_52] : memref<10000x80xf32, #tpu.memory_space<vmem_shared>> -> memref<125x80xf32, #tpu.memory_space<vmem_shared>>
      %dma_wait3A_54 = arith.constant 0 : i32
      %dma_wait3A_55 = arith.constant 0 : i32
      %dma_wait3A_56 = tpu.memref_slice %arg11[%dma_wait3A_54, %dma_wait3A_55] : memref<128x80xf32, #tpu.memory_space<vmem>> -> memref<125x80xf32, #tpu.memory_space<vmem>>
      tpu.wait_dma2 semaphore(%run_scoped3A : memref<!tpu.dma_semaphore, #tpu.memory_space<semaphore_mem>>) src(%dma_wait3A_56 : memref<125x80xf32, #tpu.memory_space<vmem>>) dst(%dma_wait3A_53 : memref<125x80xf32, #tpu.memory_space<vmem_shared>>)
      tpu.yield
    }) : () -> ()
    %add3A_16 = arith.constant 250 : i32
    %add3A_17 = arith.addi %mul3A_11, %add3A_16 : i32
    "tpu.region"() ({
      %run_scoped3A = tpu.sem_alloc : memref<!tpu.dma_semaphore, #tpu.memory_space<semaphore_mem>>
      %dma_start3A = arith.constant 0 : i32
      %dma_start3A_39 = arith.constant 0 : i32
      %dma_start3A_40 = tpu.memref_slice %arg11[%dma_start3A, %dma_start3A_39] : memref<128x80xf32, #tpu.memory_space<vmem>> -> memref<125x80xf32, #tpu.memory_space<vmem>>
      %dma_start3A_41 = arith.constant 0 : i32
      %dma_start3A_42 = tpu.memref_slice %arg12[%add3A_17, %dma_start3A_41] : memref<10000x80xf32, #tpu.memory_space<vmem_shared>> -> memref<125x80xf32, #tpu.memory_space<vmem_shared>>
      %dma_start3A_43 = arith.constant 0 : i32
      %dma_start3A_44 = tpu.memref_slice %arg12[%add3A_17, %dma_start3A_43] : memref<10000x80xf32, #tpu.memory_space<vmem_shared>> -> memref<125x80xf32, #tpu.memory_space<vmem_shared>>
      %dma_start3A_45 = arith.constant 0 : i32
      %dma_start3A_46 = arith.constant 0 : i32
      %dma_start3A_47 = tpu.memref_slice %arg11[%dma_start3A_45, %dma_start3A_46] : memref<128x80xf32, #tpu.memory_space<vmem>> -> memref<125x80xf32, #tpu.memory_space<vmem>>
      tpu.enqueue_dma source(%dma_start3A_47 : memref<125x80xf32, #tpu.memory_space<vmem>>) target(%dma_start3A_44 : memref<125x80xf32, #tpu.memory_space<vmem_shared>>) target_semaphore(%run_scoped3A : memref<!tpu.dma_semaphore, #tpu.memory_space<semaphore_mem>>)
      %dma_wait3A = arith.constant 0 : i32
      %dma_wait3A_48 = arith.constant 0 : i32
      %dma_wait3A_49 = tpu.memref_slice %arg11[%dma_wait3A, %dma_wait3A_48] : memref<128x80xf32, #tpu.memory_space<vmem>> -> memref<125x80xf32, #tpu.memory_space<vmem>>
      %dma_wait3A_50 = arith.constant 0 : i32
      %dma_wait3A_51 = tpu.memref_slice %arg12[%add3A_17, %dma_wait3A_50] : memref<10000x80xf32, #tpu.memory_space<vmem_shared>> -> memref<125x80xf32, #tpu.memory_space<vmem_shared>>
      %dma_wait3A_52 = arith.constant 0 : i32
      %dma_wait3A_53 = tpu.memref_slice %arg12[%add3A_17, %dma_wait3A_52] : memref<10000x80xf32, #tpu.memory_space<vmem_shared>> -> memref<125x80xf32, #tpu.memory_space<vmem_shared>>
      %dma_wait3A_54 = arith.constant 0 : i32
      %dma_wait3A_55 = arith.constant 0 : i32
      %dma_wait3A_56 = tpu.memref_slice %arg11[%dma_wait3A_54, %dma_wait3A_55] : memref<128x80xf32, #tpu.memory_space<vmem>> -> memref<125x80xf32, #tpu.memory_space<vmem>>
      tpu.wait_dma2 semaphore(%run_scoped3A : memref<!tpu.dma_semaphore, #tpu.memory_space<semaphore_mem>>) src(%dma_wait3A_56 : memref<125x80xf32, #tpu.memory_space<vmem>>) dst(%dma_wait3A_53 : memref<125x80xf32, #tpu.memory_space<vmem_shared>>)
      tpu.yield
    }) : () -> ()
    %add3A_18 = arith.constant 375 : i32
    %add3A_19 = arith.addi %mul3A_11, %add3A_18 : i32
    "tpu.region"() ({
      %run_scoped3A = tpu.sem_alloc : memref<!tpu.dma_semaphore, #tpu.memory_space<semaphore_mem>>
      %dma_start3A = arith.constant 0 : i32
      %dma_start3A_39 = arith.constant 0 : i32
      %dma_start3A_40 = tpu.memref_slice %arg11[%dma_start3A, %dma_start3A_39] : memref<128x80xf32, #tpu.memory_space<vmem>> -> memref<125x80xf32, #tpu.memory_space<vmem>>
      %dma_start3A_41 = arith.constant 0 : i32
      %dma_start3A_42 = tpu.memref_slice %arg12[%add3A_19, %dma_start3A_41] : memref<10000x80xf32, #tpu.memory_space<vmem_shared>> -> memref<125x80xf32, #tpu.memory_space<vmem_shared>>
      %dma_start3A_43 = arith.constant 0 : i32
      %dma_start3A_44 = tpu.memref_slice %arg12[%add3A_19, %dma_start3A_43] : memref<10000x80xf32, #tpu.memory_space<vmem_shared>> -> memref<125x80xf32, #tpu.memory_space<vmem_shared>>
      %dma_start3A_45 = arith.constant 0 : i32
      %dma_start3A_46 = arith.constant 0 : i32
      %dma_start3A_47 = tpu.memref_slice %arg11[%dma_start3A_45, %dma_start3A_46] : memref<128x80xf32, #tpu.memory_space<vmem>> -> memref<125x80xf32, #tpu.memory_space<vmem>>
      tpu.enqueue_dma source(%dma_start3A_47 : memref<125x80xf32, #tpu.memory_space<vmem>>) target(%dma_start3A_44 : memref<125x80xf32, #tpu.memory_space<vmem_shared>>) target_semaphore(%run_scoped3A : memref<!tpu.dma_semaphore, #tpu.memory_space<semaphore_mem>>)
      %dma_wait3A = arith.constant 0 : i32
      %dma_wait3A_48 = arith.constant 0 : i32
      %dma_wait3A_49 = tpu.memref_slice %arg11[%dma_wait3A, %dma_wait3A_48] : memref<128x80xf32, #tpu.memory_space<vmem>> -> memref<125x80xf32, #tpu.memory_space<vmem>>
      %dma_wait3A_50 = arith.constant 0 : i32
      %dma_wait3A_51 = tpu.memref_slice %arg12[%add3A_19, %dma_wait3A_50] : memref<10000x80xf32, #tpu.memory_space<vmem_shared>> -> memref<125x80xf32, #tpu.memory_space<vmem_shared>>
      %dma_wait3A_52 = arith.constant 0 : i32
      %dma_wait3A_53 = tpu.memref_slice %arg12[%add3A_19, %dma_wait3A_52] : memref<10000x80xf32, #tpu.memory_space<vmem_shared>> -> memref<125x80xf32, #tpu.memory_space<vmem_shared>>
      %dma_wait3A_54 = arith.constant 0 : i32
      %dma_wait3A_55 = arith.constant 0 : i32
      %dma_wait3A_56 = tpu.memref_slice %arg11[%dma_wait3A_54, %dma_wait3A_55] : memref<128x80xf32, #tpu.memory_space<vmem>> -> memref<125x80xf32, #tpu.memory_space<vmem>>
      tpu.wait_dma2 semaphore(%run_scoped3A : memref<!tpu.dma_semaphore, #tpu.memory_space<semaphore_mem>>) src(%dma_wait3A_56 : memref<125x80xf32, #tpu.memory_space<vmem>>) dst(%dma_wait3A_53 : memref<125x80xf32, #tpu.memory_space<vmem_shared>>)
      tpu.yield
    }) : () -> ()
    %add3A_20 = arith.constant 500 : i32
    %add3A_21 = arith.addi %mul3A_11, %add3A_20 : i32
    "tpu.region"() ({
      %run_scoped3A = tpu.sem_alloc : memref<!tpu.dma_semaphore, #tpu.memory_space<semaphore_mem>>
      %dma_start3A = arith.constant 0 : i32
      %dma_start3A_39 = arith.constant 0 : i32
      %dma_start3A_40 = tpu.memref_slice %arg11[%dma_start3A, %dma_start3A_39] : memref<128x80xf32, #tpu.memory_space<vmem>> -> memref<125x80xf32, #tpu.memory_space<vmem>>
      %dma_start3A_41 = arith.constant 0 : i32
      %dma_start3A_42 = tpu.memref_slice %arg12[%add3A_21, %dma_start3A_41] : memref<10000x80xf32, #tpu.memory_space<vmem_shared>> -> memref<125x80xf32, #tpu.memory_space<vmem_shared>>
      %dma_start3A_43 = arith.constant 0 : i32
      %dma_start3A_44 = tpu.memref_slice %arg12[%add3A_21, %dma_start3A_43] : memref<10000x80xf32, #tpu.memory_space<vmem_shared>> -> memref<125x80xf32, #tpu.memory_space<vmem_shared>>
      %dma_start3A_45 = arith.constant 0 : i32
      %dma_start3A_46 = arith.constant 0 : i32
      %dma_start3A_47 = tpu.memref_slice %arg11[%dma_start3A_45, %dma_start3A_46] : memref<128x80xf32, #tpu.memory_space<vmem>> -> memref<125x80xf32, #tpu.memory_space<vmem>>
      tpu.enqueue_dma source(%dma_start3A_47 : memref<125x80xf32, #tpu.memory_space<vmem>>) target(%dma_start3A_44 : memref<125x80xf32, #tpu.memory_space<vmem_shared>>) target_semaphore(%run_scoped3A : memref<!tpu.dma_semaphore, #tpu.memory_space<semaphore_mem>>)
      %dma_wait3A = arith.constant 0 : i32
      %dma_wait3A_48 = arith.constant 0 : i32
      %dma_wait3A_49 = tpu.memref_slice %arg11[%dma_wait3A, %dma_wait3A_48] : memref<128x80xf32, #tpu.memory_space<vmem>> -> memref<125x80xf32, #tpu.memory_space<vmem>>
      %dma_wait3A_50 = arith.constant 0 : i32
      %dma_wait3A_51 = tpu.memref_slice %arg12[%add3A_21, %dma_wait3A_50] : memref<10000x80xf32, #tpu.memory_space<vmem_shared>> -> memref<125x80xf32, #tpu.memory_space<vmem_shared>>
      %dma_wait3A_52 = arith.constant 0 : i32
      %dma_wait3A_53 = tpu.memref_slice %arg12[%add3A_21, %dma_wait3A_52] : memref<10000x80xf32, #tpu.memory_space<vmem_shared>> -> memref<125x80xf32, #tpu.memory_space<vmem_shared>>
      %dma_wait3A_54 = arith.constant 0 : i32
      %dma_wait3A_55 = arith.constant 0 : i32
      %dma_wait3A_56 = tpu.memref_slice %arg11[%dma_wait3A_54, %dma_wait3A_55] : memref<128x80xf32, #tpu.memory_space<vmem>> -> memref<125x80xf32, #tpu.memory_space<vmem>>
      tpu.wait_dma2 semaphore(%run_scoped3A : memref<!tpu.dma_semaphore, #tpu.memory_space<semaphore_mem>>) src(%dma_wait3A_56 : memref<125x80xf32, #tpu.memory_space<vmem>>) dst(%dma_wait3A_53 : memref<125x80xf32, #tpu.memory_space<vmem_shared>>)
      tpu.yield
    }) : () -> ()
    %barrier3A = arith.constant 0 : index
    tpu.barrier barrier_id(%barrier3A)
    "tpu.region"() ({
      %run_scoped3A = tpu.sem_alloc : memref<!tpu.dma_semaphore, #tpu.memory_space<semaphore_mem>>
      %dma_start3A = arith.constant 0 : i32
      %dma_start3A_39 = arith.constant 0 : i32
      %dma_start3A_40 = tpu.memref_slice %arg3[%add3A, %dma_start3A, %dma_start3A_39] : memref<32x79x128xi32, #tpu.memory_space<hbm>> -> memref<1x79x128xi32, #tpu.memory_space<hbm>>
      %dma_start3A_41 = tpu.memref_squeeze %dma_start3A_40 : memref<1x79x128xi32, #tpu.memory_space<hbm>> -> memref<79x128xi32, #tpu.memory_space<hbm>>
      %dma_start3A_42 = arith.constant 0 : i32
      %dma_start3A_43 = arith.constant 0 : i32
      %dma_start3A_44 = tpu.memref_slice %arg3[%add3A, %dma_start3A_42, %dma_start3A_43] : memref<32x79x128xi32, #tpu.memory_space<hbm>> -> memref<1x79x128xi32, #tpu.memory_space<hbm>>
      %dma_start3A_45 = tpu.memref_squeeze %dma_start3A_44 : memref<1x79x128xi32, #tpu.memory_space<hbm>> -> memref<79x128xi32, #tpu.memory_space<hbm>>
      tpu.enqueue_dma source(%dma_start3A_45 : memref<79x128xi32, #tpu.memory_space<hbm>>) target(%arg7 : memref<79x128xi32, #tpu.memory_space<vmem>>) target_semaphore(%run_scoped3A : memref<!tpu.dma_semaphore, #tpu.memory_space<semaphore_mem>>)
      %dma_wait3A = arith.constant 0 : i32
      %dma_wait3A_46 = arith.constant 0 : i32
      %dma_wait3A_47 = tpu.memref_slice %arg3[%add3A, %dma_wait3A, %dma_wait3A_46] : memref<32x79x128xi32, #tpu.memory_space<hbm>> -> memref<1x79x128xi32, #tpu.memory_space<hbm>>
      %dma_wait3A_48 = tpu.memref_squeeze %dma_wait3A_47 : memref<1x79x128xi32, #tpu.memory_space<hbm>> -> memref<79x128xi32, #tpu.memory_space<hbm>>
      %dma_wait3A_49 = arith.constant 0 : i32
      %dma_wait3A_50 = arith.constant 0 : i32
      %dma_wait3A_51 = tpu.memref_slice %arg3[%add3A, %dma_wait3A_49, %dma_wait3A_50] : memref<32x79x128xi32, #tpu.memory_space<hbm>> -> memref<1x79x128xi32, #tpu.memory_space<hbm>>
      %dma_wait3A_52 = tpu.memref_squeeze %dma_wait3A_51 : memref<1x79x128xi32, #tpu.memory_space<hbm>> -> memref<79x128xi32, #tpu.memory_space<hbm>>
      tpu.wait_dma2 semaphore(%run_scoped3A : memref<!tpu.dma_semaphore, #tpu.memory_space<semaphore_mem>>) src(%dma_wait3A_52 : memref<79x128xi32, #tpu.memory_space<hbm>>) dst(%arg7 : memref<79x128xi32, #tpu.memory_space<vmem>>)
      tpu.yield
    }) : () -> ()
    "tpu.region"() ({
      %run_scoped3A = tpu.sem_alloc : memref<!tpu.dma_semaphore, #tpu.memory_space<semaphore_mem>>
      %dma_start3A = arith.constant 0 : i32
      %dma_start3A_39 = arith.constant 0 : i32
      %dma_start3A_40 = tpu.memref_slice %arg4[%add3A, %dma_start3A, %dma_start3A_39] : memref<32x79x128xi32, #tpu.memory_space<hbm>> -> memref<1x79x128xi32, #tpu.memory_space<hbm>>
      %dma_start3A_41 = tpu.memref_squeeze %dma_start3A_40 : memref<1x79x128xi32, #tpu.memory_space<hbm>> -> memref<79x128xi32, #tpu.memory_space<hbm>>
      %dma_start3A_42 = arith.constant 0 : i32
      %dma_start3A_43 = arith.constant 0 : i32
      %dma_start3A_44 = tpu.memref_slice %arg4[%add3A, %dma_start3A_42, %dma_start3A_43] : memref<32x79x128xi32, #tpu.memory_space<hbm>> -> memref<1x79x128xi32, #tpu.memory_space<hbm>>
      %dma_start3A_45 = tpu.memref_squeeze %dma_start3A_44 : memref<1x79x128xi32, #tpu.memory_space<hbm>> -> memref<79x128xi32, #tpu.memory_space<hbm>>
      tpu.enqueue_dma source(%dma_start3A_45 : memref<79x128xi32, #tpu.memory_space<hbm>>) target(%arg8 : memref<79x128xi32, #tpu.memory_space<vmem>>) target_semaphore(%run_scoped3A : memref<!tpu.dma_semaphore, #tpu.memory_space<semaphore_mem>>)
      %dma_wait3A = arith.constant 0 : i32
      %dma_wait3A_46 = arith.constant 0 : i32
      %dma_wait3A_47 = tpu.memref_slice %arg4[%add3A, %dma_wait3A, %dma_wait3A_46] : memref<32x79x128xi32, #tpu.memory_space<hbm>> -> memref<1x79x128xi32, #tpu.memory_space<hbm>>
      %dma_wait3A_48 = tpu.memref_squeeze %dma_wait3A_47 : memref<1x79x128xi32, #tpu.memory_space<hbm>> -> memref<79x128xi32, #tpu.memory_space<hbm>>
      %dma_wait3A_49 = arith.constant 0 : i32
      %dma_wait3A_50 = arith.constant 0 : i32
      %dma_wait3A_51 = tpu.memref_slice %arg4[%add3A, %dma_wait3A_49, %dma_wait3A_50] : memref<32x79x128xi32, #tpu.memory_space<hbm>> -> memref<1x79x128xi32, #tpu.memory_space<hbm>>
      %dma_wait3A_52 = tpu.memref_squeeze %dma_wait3A_51 : memref<1x79x128xi32, #tpu.memory_space<hbm>> -> memref<79x128xi32, #tpu.memory_space<hbm>>
      tpu.wait_dma2 semaphore(%run_scoped3A : memref<!tpu.dma_semaphore, #tpu.memory_space<semaphore_mem>>) src(%dma_wait3A_52 : memref<79x128xi32, #tpu.memory_space<hbm>>) dst(%arg8 : memref<79x128xi32, #tpu.memory_space<vmem>>)
      tpu.yield
    }) : () -> ()
    %scan3A_22 = arith.constant 0 : i32
    %scan3A_23 = arith.constant 0 : i32
    %scan3A_24 = arith.constant 79 : i32
    %scan3A_25 = arith.addi %scan3A_23, %scan3A_24 : i32
    %scan3A_26 = arith.constant 1 : i32
    scf.for %scan3A_39 = %scan3A_23 to %scan3A_25 step %scan3A_26  : i32 {
      %dma_start3A = arith.constant 0 : i32
      %dma_start3A_40 = tpu.memref_slice %arg7[%scan3A_39, %dma_start3A] : memref<79x128xi32, #tpu.memory_space<vmem>> -> memref<1x128xi32, #tpu.memory_space<vmem>>
      %dma_start3A_41 = tpu.memref_squeeze %dma_start3A_40 : memref<1x128xi32, #tpu.memory_space<vmem>> -> memref<128xi32, #tpu.memory_space<vmem>>
      %dma_start3A_42 = arith.constant 0 : i32
      %dma_start3A_43 = arith.constant 0 : i32
      %dma_start3A_44 = tpu.memref_slice %arg2[%dma_start3A_42, %dma_start3A_43] : memref<10000x192xf32, #tpu.memory_space<hbm>> -> memref<10000x192xf32, #tpu.memory_space<hbm>>
      tpu.enqueue_indirect_dma source(%dma_start3A_44 : memref<10000x192xf32, #tpu.memory_space<hbm>>) target(%arg10 : memref<128x192xf32, #tpu.memory_space<vmem>>) offsets(%dma_start3A_41 : memref<128xi32, #tpu.memory_space<vmem>>) semaphore(%arg13 : memref<!tpu.dma_semaphore, #tpu.memory_space<semaphore_mem>>)
      %dma_wait3A = arith.constant 0 : i32
      %dma_wait3A_45 = tpu.memref_slice %arg7[%scan3A_39, %dma_wait3A] : memref<79x128xi32, #tpu.memory_space<vmem>> -> memref<1x128xi32, #tpu.memory_space<vmem>>
      %dma_wait3A_46 = tpu.memref_squeeze %dma_wait3A_45 : memref<1x128xi32, #tpu.memory_space<vmem>> -> memref<128xi32, #tpu.memory_space<vmem>>
      %dma_wait3A_47 = arith.constant 0 : i32
      %dma_wait3A_48 = arith.constant 0 : i32
      %dma_wait3A_49 = tpu.memref_slice %arg2[%dma_wait3A_47, %dma_wait3A_48] : memref<10000x192xf32, #tpu.memory_space<hbm>> -> memref<10000x192xf32, #tpu.memory_space<hbm>>
      tpu.wait_indirect_dma semaphore(%arg13 : memref<!tpu.dma_semaphore, #tpu.memory_space<semaphore_mem>>) src(%dma_wait3A_49 : memref<10000x192xf32, #tpu.memory_space<hbm>>) dst(%arg10 : memref<128x192xf32, #tpu.memory_space<vmem>>)
      "tpu.region"() ({
        %run_scoped3A = tpu.sem_alloc : memref<!tpu.dma_semaphore, #tpu.memory_space<semaphore_mem>>
        %dma_start3A_56 = arith.constant 0 : i32
        %dma_start3A_57 = arith.constant 0 : i32
        %dma_start3A_58 = tpu.memref_slice %arg5[%add3A, %scan3A_39, %dma_start3A_56, %dma_start3A_57] : memref<32x79x128x16xf32, #tpu.memory_space<hbm>> -> memref<1x1x128x16xf32, #tpu.memory_space<hbm>>
        %dma_start3A_59 = tpu.memref_squeeze %dma_start3A_58 : memref<1x1x128x16xf32, #tpu.memory_space<hbm>> -> memref<128x16xf32, #tpu.memory_space<hbm>>
        %dma_start3A_60 = arith.constant 0 : i32
        %dma_start3A_61 = arith.constant 0 : i32
        %dma_start3A_62 = tpu.memref_slice %arg5[%add3A, %scan3A_39, %dma_start3A_60, %dma_start3A_61] : memref<32x79x128x16xf32, #tpu.memory_space<hbm>> -> memref<1x1x128x16xf32, #tpu.memory_space<hbm>>
        %dma_start3A_63 = tpu.memref_squeeze %dma_start3A_62 : memref<1x1x128x16xf32, #tpu.memory_space<hbm>> -> memref<128x16xf32, #tpu.memory_space<hbm>>
        tpu.enqueue_dma source(%dma_start3A_63 : memref<128x16xf32, #tpu.memory_space<hbm>>) target(%arg9 : memref<128x16xf32, #tpu.memory_space<vmem>>) target_semaphore(%run_scoped3A : memref<!tpu.dma_semaphore, #tpu.memory_space<semaphore_mem>>)
        %dma_wait3A_64 = arith.constant 0 : i32
        %dma_wait3A_65 = arith.constant 0 : i32
        %dma_wait3A_66 = tpu.memref_slice %arg5[%add3A, %scan3A_39, %dma_wait3A_64, %dma_wait3A_65] : memref<32x79x128x16xf32, #tpu.memory_space<hbm>> -> memref<1x1x128x16xf32, #tpu.memory_space<hbm>>
        %dma_wait3A_67 = tpu.memref_squeeze %dma_wait3A_66 : memref<1x1x128x16xf32, #tpu.memory_space<hbm>> -> memref<128x16xf32, #tpu.memory_space<hbm>>
        %dma_wait3A_68 = arith.constant 0 : i32
        %dma_wait3A_69 = arith.constant 0 : i32
        %dma_wait3A_70 = tpu.memref_slice %arg5[%add3A, %scan3A_39, %dma_wait3A_68, %dma_wait3A_69] : memref<32x79x128x16xf32, #tpu.memory_space<hbm>> -> memref<1x1x128x16xf32, #tpu.memory_space<hbm>>
        %dma_wait3A_71 = tpu.memref_squeeze %dma_wait3A_70 : memref<1x1x128x16xf32, #tpu.memory_space<hbm>> -> memref<128x16xf32, #tpu.memory_space<hbm>>
        tpu.wait_dma2 semaphore(%run_scoped3A : memref<!tpu.dma_semaphore, #tpu.memory_space<semaphore_mem>>) src(%dma_wait3A_71 : memref<128x16xf32, #tpu.memory_space<hbm>>) dst(%arg9 : memref<128x16xf32, #tpu.memory_space<vmem>>)
        tpu.yield
      }) : () -> ()
      %scan3A_50 = arith.constant 0 : i32
      %scan3A_51 = arith.constant 0 : i32
      %scan3A_52 = arith.constant 128 : i32
      %scan3A_53 = arith.addi %scan3A_51, %scan3A_52 : i32
      %scan3A_54 = arith.constant 1 : i32
      scf.for %scan3A_56 = %scan3A_51 to %scan3A_53 step %scan3A_54  : i32 {
        %get3A = arith.index_cast %scan3A_56 : i32 to index
        %get3A_57 = arith.constant 0 : index
        %get3A_58 = tpu.vector_load %arg9[%get3A, %get3A_57] {strides = array<i32>} : memref<128x16xf32, #tpu.memory_space<vmem>>, vector<1x16xf32>,
        %get3A_59 = vector.shape_cast %get3A_58 : vector<1x16xf32> to vector<16xf32>
        %broadcast_in_dim3A_60 = arith.constant 0 : i32
        %broadcast_in_dim3A_61 = vector.broadcast %broadcast_in_dim3A_60 : i32 to vector<16x1xi32>
        %gather3A = vector.shape_cast %broadcast_in_dim3A_61 : vector<16x1xi32> to vector<16xi32>
        %gather3A_62 = tpu.dynamic_gather %get3A_59[%gather3A] in [0] : vector<16xf32>, vector<16xi32> -> vector<16xf32>
        %broadcast_in_dim3A_63 = arith.constant 1 : i32
        %broadcast_in_dim3A_64 = vector.broadcast %broadcast_in_dim3A_63 : i32 to vector<16x1xi32>
        %gather3A_65 = vector.shape_cast %broadcast_in_dim3A_64 : vector<16x1xi32> to vector<16xi32>
        %gather3A_66 = tpu.dynamic_gather %get3A_59[%gather3A_65] in [0] : vector<16xf32>, vector<16xi32> -> vector<16xf32>
        %broadcast_in_dim3A_67 = arith.constant 2 : i32
        %broadcast_in_dim3A_68 = vector.broadcast %broadcast_in_dim3A_67 : i32 to vector<16x1xi32>
        %gather3A_69 = vector.shape_cast %broadcast_in_dim3A_68 : vector<16x1xi32> to vector<16xi32>
        %gather3A_70 = tpu.dynamic_gather %get3A_59[%gather3A_69] in [0] : vector<16xf32>, vector<16xi32> -> vector<16xf32>
        %get3A_71 = arith.index_cast %scan3A_56 : i32 to index
        %get3A_72 = arith.constant 0 : index
        %get3A_73 = tpu.vector_load %arg10[%get3A_71, %get3A_72] {strides = array<i32>} : memref<128x192xf32, #tpu.memory_space<vmem>>, vector<1x16xf32>,
        %get3A_74 = vector.shape_cast %get3A_73 : vector<1x16xf32> to vector<16xf32>
        %mul3A_75 = arith.mulf %gather3A_62, %get3A_74 : vector<16xf32>
        %get3A_76 = arith.index_cast %scan3A_56 : i32 to index
        %get3A_77 = arith.constant 64 : index
        %get3A_78 = tpu.vector_load %arg10[%get3A_76, %get3A_77] {strides = array<i32>} : memref<128x192xf32, #tpu.memory_space<vmem>>, vector<1x16xf32>,
        %get3A_79 = vector.shape_cast %get3A_78 : vector<1x16xf32> to vector<16xf32>
        %mul3A_80 = arith.mulf %gather3A_66, %get3A_79 : vector<16xf32>
        %add3A_81 = arith.addf %mul3A_75, %mul3A_80 : vector<16xf32>
        %get3A_82 = arith.index_cast %scan3A_56 : i32 to index
        %get3A_83 = arith.constant 128 : index
        %get3A_84 = tpu.vector_load %arg10[%get3A_82, %get3A_83] {strides = array<i32>} : memref<128x192xf32, #tpu.memory_space<vmem>>, vector<1x16xf32>,
        %get3A_85 = vector.shape_cast %get3A_84 : vector<1x16xf32> to vector<16xf32>
        %mul3A_86 = arith.mulf %gather3A_70, %get3A_85 : vector<16xf32>
        %add3A_87 = arith.addf %add3A_81, %mul3A_86 : vector<16xf32>
        %swap3A = arith.index_cast %scan3A_56 : i32 to index
        %swap3A_88 = arith.constant 0 : index
        %swap3A_89 = tpu.vector_load %arg11[%swap3A, %swap3A_88] {strides = array<i32>} : memref<128x80xf32, #tpu.memory_space<vmem>>, vector<1x16xf32>,
        %swap3A_90 = vector.shape_cast %swap3A_89 : vector<1x16xf32> to vector<16xf32>
        %swap3A_91 = vector.shape_cast %add3A_87 : vector<16xf32> to vector<1x16xf32>
        tpu.vector_store %arg11[%swap3A, %swap3A_88], %swap3A_91 {strides = array<i32>} : memref<128x80xf32, #tpu.memory_space<vmem>>, vector<1x16xf32>,
        %get3A_92 = arith.index_cast %scan3A_56 : i32 to index
        %get3A_93 = arith.constant 16 : index
        %get3A_94 = tpu.vector_load %arg10[%get3A_92, %get3A_93] {strides = array<i32>} : memref<128x192xf32, #tpu.memory_space<vmem>>, vector<1x16xf32>,
        %get3A_95 = vector.shape_cast %get3A_94 : vector<1x16xf32> to vector<16xf32>
        %mul3A_96 = arith.mulf %gather3A_62, %get3A_95 : vector<16xf32>
        %get3A_97 = arith.index_cast %scan3A_56 : i32 to index
        %get3A_98 = arith.constant 80 : index
        %get3A_99 = tpu.vector_load %arg10[%get3A_97, %get3A_98] {strides = array<i32>} : memref<128x192xf32, #tpu.memory_space<vmem>>, vector<1x16xf32>,
        %get3A_100 = vector.shape_cast %get3A_99 : vector<1x16xf32> to vector<16xf32>
        %mul3A_101 = arith.mulf %gather3A_66, %get3A_100 : vector<16xf32>
        %add3A_102 = arith.addf %mul3A_96, %mul3A_101 : vector<16xf32>
        %get3A_103 = arith.index_cast %scan3A_56 : i32 to index
        %get3A_104 = arith.constant 144 : index
        %get3A_105 = tpu.vector_load %arg10[%get3A_103, %get3A_104] {strides = array<i32>} : memref<128x192xf32, #tpu.memory_space<vmem>>, vector<1x16xf32>,
        %get3A_106 = vector.shape_cast %get3A_105 : vector<1x16xf32> to vector<16xf32>
        %mul3A_107 = arith.mulf %gather3A_70, %get3A_106 : vector<16xf32>
        %add3A_108 = arith.addf %add3A_102, %mul3A_107 : vector<16xf32>
        %swap3A_109 = arith.index_cast %scan3A_56 : i32 to index
        %swap3A_110 = arith.constant 16 : index
        %swap3A_111 = tpu.vector_load %arg11[%swap3A_109, %swap3A_110] {strides = array<i32>} : memref<128x80xf32, #tpu.memory_space<vmem>>, vector<1x16xf32>,
        %swap3A_112 = vector.shape_cast %swap3A_111 : vector<1x16xf32> to vector<16xf32>
        %swap3A_113 = vector.shape_cast %add3A_108 : vector<16xf32> to vector<1x16xf32>
        tpu.vector_store %arg11[%swap3A_109, %swap3A_110], %swap3A_113 {strides = array<i32>} : memref<128x80xf32, #tpu.memory_space<vmem>>, vector<1x16xf32>,
        %get3A_114 = arith.index_cast %scan3A_56 : i32 to index
        %get3A_115 = arith.constant 32 : index
        %get3A_116 = tpu.vector_load %arg10[%get3A_114, %get3A_115] {strides = array<i32>} : memref<128x192xf32, #tpu.memory_space<vmem>>, vector<1x16xf32>,
        %get3A_117 = vector.shape_cast %get3A_116 : vector<1x16xf32> to vector<16xf32>
        %mul3A_118 = arith.mulf %gather3A_62, %get3A_117 : vector<16xf32>
        %get3A_119 = arith.index_cast %scan3A_56 : i32 to index
        %get3A_120 = arith.constant 96 : index
        %get3A_121 = tpu.vector_load %arg10[%get3A_119, %get3A_120] {strides = array<i32>} : memref<128x192xf32, #tpu.memory_space<vmem>>, vector<1x16xf32>,
        %get3A_122 = vector.shape_cast %get3A_121 : vector<1x16xf32> to vector<16xf32>
        %mul3A_123 = arith.mulf %gather3A_66, %get3A_122 : vector<16xf32>
        %add3A_124 = arith.addf %mul3A_118, %mul3A_123 : vector<16xf32>
        %get3A_125 = arith.index_cast %scan3A_56 : i32 to index
        %get3A_126 = arith.constant 160 : index
        %get3A_127 = tpu.vector_load %arg10[%get3A_125, %get3A_126] {strides = array<i32>} : memref<128x192xf32, #tpu.memory_space<vmem>>, vector<1x16xf32>,
        %get3A_128 = vector.shape_cast %get3A_127 : vector<1x16xf32> to vector<16xf32>
        %mul3A_129 = arith.mulf %gather3A_70, %get3A_128 : vector<16xf32>
        %add3A_130 = arith.addf %add3A_124, %mul3A_129 : vector<16xf32>
        %swap3A_131 = arith.index_cast %scan3A_56 : i32 to index
        %swap3A_132 = arith.constant 32 : index
        %swap3A_133 = tpu.vector_load %arg11[%swap3A_131, %swap3A_132] {strides = array<i32>} : memref<128x80xf32, #tpu.memory_space<vmem>>, vector<1x16xf32>,
        %swap3A_134 = vector.shape_cast %swap3A_133 : vector<1x16xf32> to vector<16xf32>
        %swap3A_135 = vector.shape_cast %add3A_130 : vector<16xf32> to vector<1x16xf32>
        tpu.vector_store %arg11[%swap3A_131, %swap3A_132], %swap3A_135 {strides = array<i32>} : memref<128x80xf32, #tpu.memory_space<vmem>>, vector<1x16xf32>,
        %get3A_136 = arith.index_cast %scan3A_56 : i32 to index
        %get3A_137 = arith.constant 48 : index
        %get3A_138 = tpu.vector_load %arg10[%get3A_136, %get3A_137] {strides = array<i32>} : memref<128x192xf32, #tpu.memory_space<vmem>>, vector<1x16xf32>,
        %get3A_139 = vector.shape_cast %get3A_138 : vector<1x16xf32> to vector<16xf32>
        %mul3A_140 = arith.mulf %gather3A_62, %get3A_139 : vector<16xf32>
        %get3A_141 = arith.index_cast %scan3A_56 : i32 to index
        %get3A_142 = arith.constant 112 : index
        %get3A_143 = tpu.vector_load %arg10[%get3A_141, %get3A_142] {strides = array<i32>} : memref<128x192xf32, #tpu.memory_space<vmem>>, vector<1x16xf32>,
        %get3A_144 = vector.shape_cast %get3A_143 : vector<1x16xf32> to vector<16xf32>
        %mul3A_145 = arith.mulf %gather3A_66, %get3A_144 : vector<16xf32>
        %add3A_146 = arith.addf %mul3A_140, %mul3A_145 : vector<16xf32>
        %get3A_147 = arith.index_cast %scan3A_56 : i32 to index
        %get3A_148 = arith.constant 176 : index
        %get3A_149 = tpu.vector_load %arg10[%get3A_147, %get3A_148] {strides = array<i32>} : memref<128x192xf32, #tpu.memory_space<vmem>>, vector<1x16xf32>,
        %get3A_150 = vector.shape_cast %get3A_149 : vector<1x16xf32> to vector<16xf32>
        %mul3A_151 = arith.mulf %gather3A_70, %get3A_150 : vector<16xf32>
        %add3A_152 = arith.addf %add3A_146, %mul3A_151 : vector<16xf32>
        %swap3A_153 = arith.index_cast %scan3A_56 : i32 to index
        %swap3A_154 = arith.constant 48 : index
        %swap3A_155 = tpu.vector_load %arg11[%swap3A_153, %swap3A_154] {strides = array<i32>} : memref<128x80xf32, #tpu.memory_space<vmem>>, vector<1x16xf32>,
        %swap3A_156 = vector.shape_cast %swap3A_155 : vector<1x16xf32> to vector<16xf32>
        %swap3A_157 = vector.shape_cast %add3A_152 : vector<16xf32> to vector<1x16xf32>
        tpu.vector_store %arg11[%swap3A_153, %swap3A_154], %swap3A_157 {strides = array<i32>} : memref<128x80xf32, #tpu.memory_space<vmem>>, vector<1x16xf32>,
        %broadcast_in_dim3A_158 = arith.constant 3 : i32
        %broadcast_in_dim3A_159 = vector.broadcast %broadcast_in_dim3A_158 : i32 to vector<16x1xi32>
        %gather3A_160 = vector.shape_cast %broadcast_in_dim3A_159 : vector<16x1xi32> to vector<16xi32>
        %gather3A_161 = tpu.dynamic_gather %get3A_59[%gather3A_160] in [0] : vector<16xf32>, vector<16xi32> -> vector<16xf32>
        %mul3A_162 = arith.mulf %gather3A_161, %select_n3A : vector<16xf32>
        %swap3A_163 = arith.index_cast %scan3A_56 : i32 to index
        %swap3A_164 = arith.constant 64 : index
        %swap3A_165 = tpu.vector_load %arg11[%swap3A_163, %swap3A_164] {strides = array<i32>} : memref<128x80xf32, #tpu.memory_space<vmem>>, vector<1x16xf32>,
        %swap3A_166 = vector.shape_cast %swap3A_165 : vector<1x16xf32> to vector<16xf32>
        %swap3A_167 = vector.shape_cast %mul3A_162 : vector<16xf32> to vector<1x16xf32>
        tpu.vector_store %arg11[%swap3A_163, %swap3A_164], %swap3A_167 {strides = array<i32>} : memref<128x80xf32, #tpu.memory_space<vmem>>, vector<1x16xf32>,
      }
      %scan3A_55 = arith.constant 128 : i32
      "tpu.region"() ({
        %run_scoped3A = tpu.sem_alloc : memref<!tpu.dma_semaphore, #tpu.memory_space<semaphore_mem>>
        %dma_start3A_56 = arith.constant 0 : i32
        %dma_start3A_57 = tpu.memref_slice %arg8[%scan3A_39, %dma_start3A_56] : memref<79x128xi32, #tpu.memory_space<vmem>> -> memref<1x128xi32, #tpu.memory_space<vmem>>
        %dma_start3A_58 = tpu.memref_squeeze %dma_start3A_57 : memref<1x128xi32, #tpu.memory_space<vmem>> -> memref<128xi32, #tpu.memory_space<vmem>>
        %dma_start3A_59 = arith.constant 0 : i32
        %dma_start3A_60 = arith.constant 0 : i32
        %dma_start3A_61 = tpu.memref_slice %arg12[%dma_start3A_59, %dma_start3A_60] : memref<10000x80xf32, #tpu.memory_space<vmem_shared>> -> memref<10000x80xf32, #tpu.memory_space<vmem_shared>>
        tpu.enqueue_indirect_dma source(%arg11 : memref<128x80xf32, #tpu.memory_space<vmem>>) target(%dma_start3A_61 : memref<10000x80xf32, #tpu.memory_space<vmem_shared>>) offsets(%dma_start3A_58 : memref<128xi32, #tpu.memory_space<vmem>>) semaphore(%run_scoped3A : memref<!tpu.dma_semaphore, #tpu.memory_space<semaphore_mem>>) {add = true}
        %dma_wait3A_62 = arith.constant 0 : i32
        %dma_wait3A_63 = tpu.memref_slice %arg8[%scan3A_39, %dma_wait3A_62] : memref<79x128xi32, #tpu.memory_space<vmem>> -> memref<1x128xi32, #tpu.memory_space<vmem>>
        %dma_wait3A_64 = tpu.memref_squeeze %dma_wait3A_63 : memref<1x128xi32, #tpu.memory_space<vmem>> -> memref<128xi32, #tpu.memory_space<vmem>>
        %dma_wait3A_65 = arith.constant 0 : i32
        %dma_wait3A_66 = arith.constant 0 : i32
        %dma_wait3A_67 = tpu.memref_slice %arg12[%dma_wait3A_65, %dma_wait3A_66] : memref<10000x80xf32, #tpu.memory_space<vmem_shared>> -> memref<10000x80xf32, #tpu.memory_space<vmem_shared>>
        tpu.wait_indirect_dma semaphore(%run_scoped3A : memref<!tpu.dma_semaphore, #tpu.memory_space<semaphore_mem>>) src(%arg11 : memref<128x80xf32, #tpu.memory_space<vmem>>) dst(%dma_wait3A_67 : memref<10000x80xf32, #tpu.memory_space<vmem_shared>>)
        tpu.yield
      }) : () -> ()
    }
    %scan3A_27 = arith.constant 79 : i32
    %barrier3A_28 = arith.constant 0 : index
    tpu.barrier barrier_id(%barrier3A_28)
    %add3A_29 = arith.constant 0 : i32
    %add3A_30 = arith.addi %mul3A_11, %add3A_29 : i32
    "tpu.region"() ({
      %run_scoped3A = tpu.sem_alloc : memref<!tpu.dma_semaphore, #tpu.memory_space<semaphore_mem>>
      %dma_start3A = arith.constant 0 : i32
      %dma_start3A_39 = tpu.memref_slice %arg6[%arg0, %add3A_30, %dma_start3A] : memref<2x10000x80xf32, #tpu.memory_space<hbm>> -> memref<1x125x80xf32, #tpu.memory_space<hbm>>
      %dma_start3A_40 = tpu.memref_squeeze %dma_start3A_39 : memref<1x125x80xf32, #tpu.memory_space<hbm>> -> memref<125x80xf32, #tpu.memory_space<hbm>>
      %dma_start3A_41 = arith.constant 0 : i32
      %dma_start3A_42 = tpu.memref_slice %arg12[%add3A_30, %dma_start3A_41] : memref<10000x80xf32, #tpu.memory_space<vmem_shared>> -> memref<125x80xf32, #tpu.memory_space<vmem_shared>>
      tpu.enqueue_dma source(%dma_start3A_42 : memref<125x80xf32, #tpu.memory_space<vmem_shared>>) target(%dma_start3A_40 : memref<125x80xf32, #tpu.memory_space<hbm>>) target_semaphore(%run_scoped3A : memref<!tpu.dma_semaphore, #tpu.memory_space<semaphore_mem>>)
      %dma_wait3A = arith.constant 0 : i32
      %dma_wait3A_43 = tpu.memref_slice %arg6[%arg0, %add3A_30, %dma_wait3A] : memref<2x10000x80xf32, #tpu.memory_space<hbm>> -> memref<1x125x80xf32, #tpu.memory_space<hbm>>
      %dma_wait3A_44 = tpu.memref_squeeze %dma_wait3A_43 : memref<1x125x80xf32, #tpu.memory_space<hbm>> -> memref<125x80xf32, #tpu.memory_space<hbm>>
      %dma_wait3A_45 = arith.constant 0 : i32
      %dma_wait3A_46 = tpu.memref_slice %arg12[%add3A_30, %dma_wait3A_45] : memref<10000x80xf32, #tpu.memory_space<vmem_shared>> -> memref<125x80xf32, #tpu.memory_space<vmem_shared>>
      tpu.wait_dma2 semaphore(%run_scoped3A : memref<!tpu.dma_semaphore, #tpu.memory_space<semaphore_mem>>) src(%dma_wait3A_46 : memref<125x80xf32, #tpu.memory_space<vmem_shared>>) dst(%dma_wait3A_44 : memref<125x80xf32, #tpu.memory_space<hbm>>)
      tpu.yield
    }) : () -> ()
    %add3A_31 = arith.constant 125 : i32
    %add3A_32 = arith.addi %mul3A_11, %add3A_31 : i32
    "tpu.region"() ({
      %run_scoped3A = tpu.sem_alloc : memref<!tpu.dma_semaphore, #tpu.memory_space<semaphore_mem>>
      %dma_start3A = arith.constant 0 : i32
      %dma_start3A_39 = tpu.memref_slice %arg6[%arg0, %add3A_32, %dma_start3A] : memref<2x10000x80xf32, #tpu.memory_space<hbm>> -> memref<1x125x80xf32, #tpu.memory_space<hbm>>
      %dma_start3A_40 = tpu.memref_squeeze %dma_start3A_39 : memref<1x125x80xf32, #tpu.memory_space<hbm>> -> memref<125x80xf32, #tpu.memory_space<hbm>>
      %dma_start3A_41 = arith.constant 0 : i32
      %dma_start3A_42 = tpu.memref_slice %arg12[%add3A_32, %dma_start3A_41] : memref<10000x80xf32, #tpu.memory_space<vmem_shared>> -> memref<125x80xf32, #tpu.memory_space<vmem_shared>>
      tpu.enqueue_dma source(%dma_start3A_42 : memref<125x80xf32, #tpu.memory_space<vmem_shared>>) target(%dma_start3A_40 : memref<125x80xf32, #tpu.memory_space<hbm>>) target_semaphore(%run_scoped3A : memref<!tpu.dma_semaphore, #tpu.memory_space<semaphore_mem>>)
      %dma_wait3A = arith.constant 0 : i32
      %dma_wait3A_43 = tpu.memref_slice %arg6[%arg0, %add3A_32, %dma_wait3A] : memref<2x10000x80xf32, #tpu.memory_space<hbm>> -> memref<1x125x80xf32, #tpu.memory_space<hbm>>
      %dma_wait3A_44 = tpu.memref_squeeze %dma_wait3A_43 : memref<1x125x80xf32, #tpu.memory_space<hbm>> -> memref<125x80xf32, #tpu.memory_space<hbm>>
      %dma_wait3A_45 = arith.constant 0 : i32
      %dma_wait3A_46 = tpu.memref_slice %arg12[%add3A_32, %dma_wait3A_45] : memref<10000x80xf32, #tpu.memory_space<vmem_shared>> -> memref<125x80xf32, #tpu.memory_space<vmem_shared>>
      tpu.wait_dma2 semaphore(%run_scoped3A : memref<!tpu.dma_semaphore, #tpu.memory_space<semaphore_mem>>) src(%dma_wait3A_46 : memref<125x80xf32, #tpu.memory_space<vmem_shared>>) dst(%dma_wait3A_44 : memref<125x80xf32, #tpu.memory_space<hbm>>)
      tpu.yield
    }) : () -> ()
    %add3A_33 = arith.constant 250 : i32
    %add3A_34 = arith.addi %mul3A_11, %add3A_33 : i32
    "tpu.region"() ({
      %run_scoped3A = tpu.sem_alloc : memref<!tpu.dma_semaphore, #tpu.memory_space<semaphore_mem>>
      %dma_start3A = arith.constant 0 : i32
      %dma_start3A_39 = tpu.memref_slice %arg6[%arg0, %add3A_34, %dma_start3A] : memref<2x10000x80xf32, #tpu.memory_space<hbm>> -> memref<1x125x80xf32, #tpu.memory_space<hbm>>
      %dma_start3A_40 = tpu.memref_squeeze %dma_start3A_39 : memref<1x125x80xf32, #tpu.memory_space<hbm>> -> memref<125x80xf32, #tpu.memory_space<hbm>>
      %dma_start3A_41 = arith.constant 0 : i32
      %dma_start3A_42 = tpu.memref_slice %arg12[%add3A_34, %dma_start3A_41] : memref<10000x80xf32, #tpu.memory_space<vmem_shared>> -> memref<125x80xf32, #tpu.memory_space<vmem_shared>>
      tpu.enqueue_dma source(%dma_start3A_42 : memref<125x80xf32, #tpu.memory_space<vmem_shared>>) target(%dma_start3A_40 : memref<125x80xf32, #tpu.memory_space<hbm>>) target_semaphore(%run_scoped3A : memref<!tpu.dma_semaphore, #tpu.memory_space<semaphore_mem>>)
      %dma_wait3A = arith.constant 0 : i32
      %dma_wait3A_43 = tpu.memref_slice %arg6[%arg0, %add3A_34, %dma_wait3A] : memref<2x10000x80xf32, #tpu.memory_space<hbm>> -> memref<1x125x80xf32, #tpu.memory_space<hbm>>
      %dma_wait3A_44 = tpu.memref_squeeze %dma_wait3A_43 : memref<1x125x80xf32, #tpu.memory_space<hbm>> -> memref<125x80xf32, #tpu.memory_space<hbm>>
      %dma_wait3A_45 = arith.constant 0 : i32
      %dma_wait3A_46 = tpu.memref_slice %arg12[%add3A_34, %dma_wait3A_45] : memref<10000x80xf32, #tpu.memory_space<vmem_shared>> -> memref<125x80xf32, #tpu.memory_space<vmem_shared>>
      tpu.wait_dma2 semaphore(%run_scoped3A : memref<!tpu.dma_semaphore, #tpu.memory_space<semaphore_mem>>) src(%dma_wait3A_46 : memref<125x80xf32, #tpu.memory_space<vmem_shared>>) dst(%dma_wait3A_44 : memref<125x80xf32, #tpu.memory_space<hbm>>)
      tpu.yield
    }) : () -> ()
    %add3A_35 = arith.constant 375 : i32
    %add3A_36 = arith.addi %mul3A_11, %add3A_35 : i32
    "tpu.region"() ({
      %run_scoped3A = tpu.sem_alloc : memref<!tpu.dma_semaphore, #tpu.memory_space<semaphore_mem>>
      %dma_start3A = arith.constant 0 : i32
      %dma_start3A_39 = tpu.memref_slice %arg6[%arg0, %add3A_36, %dma_start3A] : memref<2x10000x80xf32, #tpu.memory_space<hbm>> -> memref<1x125x80xf32, #tpu.memory_space<hbm>>
      %dma_start3A_40 = tpu.memref_squeeze %dma_start3A_39 : memref<1x125x80xf32, #tpu.memory_space<hbm>> -> memref<125x80xf32, #tpu.memory_space<hbm>>
      %dma_start3A_41 = arith.constant 0 : i32
      %dma_start3A_42 = tpu.memref_slice %arg12[%add3A_36, %dma_start3A_41] : memref<10000x80xf32, #tpu.memory_space<vmem_shared>> -> memref<125x80xf32, #tpu.memory_space<vmem_shared>>
      tpu.enqueue_dma source(%dma_start3A_42 : memref<125x80xf32, #tpu.memory_space<vmem_shared>>) target(%dma_start3A_40 : memref<125x80xf32, #tpu.memory_space<hbm>>) target_semaphore(%run_scoped3A : memref<!tpu.dma_semaphore, #tpu.memory_space<semaphore_mem>>)
      %dma_wait3A = arith.constant 0 : i32
      %dma_wait3A_43 = tpu.memref_slice %arg6[%arg0, %add3A_36, %dma_wait3A] : memref<2x10000x80xf32, #tpu.memory_space<hbm>> -> memref<1x125x80xf32, #tpu.memory_space<hbm>>
      %dma_wait3A_44 = tpu.memref_squeeze %dma_wait3A_43 : memref<1x125x80xf32, #tpu.memory_space<hbm>> -> memref<125x80xf32, #tpu.memory_space<hbm>>
      %dma_wait3A_45 = arith.constant 0 : i32
      %dma_wait3A_46 = tpu.memref_slice %arg12[%add3A_36, %dma_wait3A_45] : memref<10000x80xf32, #tpu.memory_space<vmem_shared>> -> memref<125x80xf32, #tpu.memory_space<vmem_shared>>
      tpu.wait_dma2 semaphore(%run_scoped3A : memref<!tpu.dma_semaphore, #tpu.memory_space<semaphore_mem>>) src(%dma_wait3A_46 : memref<125x80xf32, #tpu.memory_space<vmem_shared>>) dst(%dma_wait3A_44 : memref<125x80xf32, #tpu.memory_space<hbm>>)
      tpu.yield
    }) : () -> ()
    %add3A_37 = arith.constant 500 : i32
    %add3A_38 = arith.addi %mul3A_11, %add3A_37 : i32
    "tpu.region"() ({
      %run_scoped3A = tpu.sem_alloc : memref<!tpu.dma_semaphore, #tpu.memory_space<semaphore_mem>>
      %dma_start3A = arith.constant 0 : i32
      %dma_start3A_39 = tpu.memref_slice %arg6[%arg0, %add3A_38, %dma_start3A] : memref<2x10000x80xf32, #tpu.memory_space<hbm>> -> memref<1x125x80xf32, #tpu.memory_space<hbm>>
      %dma_start3A_40 = tpu.memref_squeeze %dma_start3A_39 : memref<1x125x80xf32, #tpu.memory_space<hbm>> -> memref<125x80xf32, #tpu.memory_space<hbm>>
      %dma_start3A_41 = arith.constant 0 : i32
      %dma_start3A_42 = tpu.memref_slice %arg12[%add3A_38, %dma_start3A_41] : memref<10000x80xf32, #tpu.memory_space<vmem_shared>> -> memref<125x80xf32, #tpu.memory_space<vmem_shared>>
      tpu.enqueue_dma source(%dma_start3A_42 : memref<125x80xf32, #tpu.memory_space<vmem_shared>>) target(%dma_start3A_40 : memref<125x80xf32, #tpu.memory_space<hbm>>) target_semaphore(%run_scoped3A : memref<!tpu.dma_semaphore, #tpu.memory_space<semaphore_mem>>)
      %dma_wait3A = arith.constant 0 : i32
      %dma_wait3A_43 = tpu.memref_slice %arg6[%arg0, %add3A_38, %dma_wait3A] : memref<2x10000x80xf32, #tpu.memory_space<hbm>> -> memref<1x125x80xf32, #tpu.memory_space<hbm>>
      %dma_wait3A_44 = tpu.memref_squeeze %dma_wait3A_43 : memref<1x125x80xf32, #tpu.memory_space<hbm>> -> memref<125x80xf32, #tpu.memory_space<hbm>>
      %dma_wait3A_45 = arith.constant 0 : i32
      %dma_wait3A_46 = tpu.memref_slice %arg12[%add3A_38, %dma_wait3A_45] : memref<10000x80xf32, #tpu.memory_space<vmem_shared>> -> memref<125x80xf32, #tpu.memory_space<vmem_shared>>
      tpu.wait_dma2 semaphore(%run_scoped3A : memref<!tpu.dma_semaphore, #tpu.memory_space<semaphore_mem>>) src(%dma_wait3A_46 : memref<125x80xf32, #tpu.memory_space<vmem_shared>>) dst(%dma_wait3A_44 : memref<125x80xf32, #tpu.memory_space<hbm>>)
      tpu.yield
    }) : () -> ()
    return
  }
}

#map = affine_map<(d0, d1) -> (0, 0)>
#map1 = affine_map<(d0, d1) -> (0, 0, 0)>
#map2 = affine_map<(d0, d1) -> (0, 0, 0, 0)>
module attributes {stable_mosaic.version = 14 : i64} {
  func.func @body(%arg0: i32, %arg1: i32, %arg2: memref<10000x48xf32, #tpu.memory_space<hbm>>, %arg3: memref<32x79x128xi32, #tpu.memory_space<hbm>>, %arg4: memref<32x79x128xi32, #tpu.memory_space<hbm>>, %arg5: memref<32x79x128x16xf32, #tpu.memory_space<hbm>>, %arg6: memref<2x10000x16xf32, #tpu.memory_space<hbm>>, %arg7: memref<79x128xi32, #tpu.memory_space<vmem>>, %arg8: memref<79x128xi32, #tpu.memory_space<vmem>>, %arg9: memref<128x16xf32, #tpu.memory_space<vmem>>, %arg10: memref<128x48xf32, #tpu.memory_space<vmem>>, %arg11: memref<128x16xf32, #tpu.memory_space<vmem>>, %arg12: memref<10000x16xf32, #tpu.memory_space<vmem_shared>>, %arg13: memref<!tpu.dma_semaphore, #tpu.memory_space<semaphore_mem>>) attributes {dimension_semantics = [#tpu.dimension_semantics<core_parallel>, #tpu.dimension_semantics<subcore_parallel>], iteration_bounds = array<i64: 2, 16>, scalar_prefetch = 0 : i64, scratch_operands = 7 : i64, tpu.core_type = #tpu.core_type<sc_vector_subcore>, window_params = [{transform_indices = #map}, {transform_indices = #map1}, {transform_indices = #map1}, {transform_indices = #map2}, {transform_indices = #map1}]} {
    %mul3A = arith.constant 16 : i32
    %mul3A_0 = arith.muli %arg0, %mul3A : i32
    %add3A = arith.addi %mul3A_0, %arg1 : i32
    %iota3A = tpu.iota {dimensions = array<i32: 0>} : vector<16xi32>
    %eq3A = arith.constant 0 : i32
    %eq3A_1 = vector.broadcast %eq3A : i32 to vector<16xi32>
    %eq3A_2 = arith.cmpi eq, %iota3A, %eq3A_1 : vector<16xi32>
    %jit3A = arith.constant 1.000000e+00 : f32
    %jit3A_3 = arith.constant 0.000000e+00 : f32
    %broadcast_in_dim3A = vector.broadcast %jit3A : f32 to vector<16xf32>
    %broadcast_in_dim3A_4 = vector.broadcast %jit3A_3 : f32 to vector<16xf32>
    %select_n3A = arith.select %eq3A_2, %broadcast_in_dim3A, %broadcast_in_dim3A_4 : vector<16xi1>, vector<16xf32>
    %scan3A = arith.constant 0 : i32
    %scan3A_5 = arith.constant 0 : i32
    %scan3A_6 = arith.constant 125 : i32
    %scan3A_7 = arith.addi %scan3A_5, %scan3A_6 : i32
    %scan3A_8 = arith.constant 1 : i32
    scf.for %scan3A_39 = %scan3A_5 to %scan3A_7 step %scan3A_8  : i32 {
      %broadcast_in_dim3A_40 = arith.constant 0.000000e+00 : f32
      %broadcast_in_dim3A_41 = vector.broadcast %broadcast_in_dim3A_40 : f32 to vector<16xf32>
      %swap3A = arith.index_cast %scan3A_39 : i32 to index
      %swap3A_42 = arith.constant 0 : index
      %swap3A_43 = tpu.vector_load %arg11[%swap3A, %swap3A_42] {strides = array<i32>} : memref<128x16xf32, #tpu.memory_space<vmem>>, vector<1x16xf32>,
      %swap3A_44 = vector.shape_cast %swap3A_43 : vector<1x16xf32> to vector<16xf32>
      %swap3A_45 = vector.shape_cast %broadcast_in_dim3A_41 : vector<16xf32> to vector<1x16xf32>
      tpu.vector_store %arg11[%swap3A, %swap3A_42], %swap3A_45 {strides = array<i32>} : memref<128x16xf32, #tpu.memory_space<vmem>>, vector<1x16xf32>,
    }
    %scan3A_9 = arith.constant 125 : i32
    %mul3A_10 = arith.constant 625 : i32
    %mul3A_11 = arith.muli %arg1, %mul3A_10 : i32
    %add3A_12 = arith.constant 0 : i32
    %add3A_13 = arith.addi %mul3A_11, %add3A_12 : i32
    "tpu.region"() ({
      %run_scoped3A = tpu.sem_alloc : memref<!tpu.dma_semaphore, #tpu.memory_space<semaphore_mem>>
      %dma_start3A = arith.constant 0 : i32
      %dma_start3A_39 = arith.constant 0 : i32
      %dma_start3A_40 = tpu.memref_slice %arg11[%dma_start3A, %dma_start3A_39] : memref<128x16xf32, #tpu.memory_space<vmem>> -> memref<125x16xf32, #tpu.memory_space<vmem>>
      %dma_start3A_41 = arith.constant 0 : i32
      %dma_start3A_42 = tpu.memref_slice %arg12[%add3A_13, %dma_start3A_41] : memref<10000x16xf32, #tpu.memory_space<vmem_shared>> -> memref<125x16xf32, #tpu.memory_space<vmem_shared>>
      %dma_start3A_43 = arith.constant 0 : i32
      %dma_start3A_44 = tpu.memref_slice %arg12[%add3A_13, %dma_start3A_43] : memref<10000x16xf32, #tpu.memory_space<vmem_shared>> -> memref<125x16xf32, #tpu.memory_space<vmem_shared>>
      %dma_start3A_45 = arith.constant 0 : i32
      %dma_start3A_46 = arith.constant 0 : i32
      %dma_start3A_47 = tpu.memref_slice %arg11[%dma_start3A_45, %dma_start3A_46] : memref<128x16xf32, #tpu.memory_space<vmem>> -> memref<125x16xf32, #tpu.memory_space<vmem>>
      tpu.enqueue_dma source(%dma_start3A_47 : memref<125x16xf32, #tpu.memory_space<vmem>>) target(%dma_start3A_44 : memref<125x16xf32, #tpu.memory_space<vmem_shared>>) target_semaphore(%run_scoped3A : memref<!tpu.dma_semaphore, #tpu.memory_space<semaphore_mem>>)
      %dma_wait3A = arith.constant 0 : i32
      %dma_wait3A_48 = arith.constant 0 : i32
      %dma_wait3A_49 = tpu.memref_slice %arg11[%dma_wait3A, %dma_wait3A_48] : memref<128x16xf32, #tpu.memory_space<vmem>> -> memref<125x16xf32, #tpu.memory_space<vmem>>
      %dma_wait3A_50 = arith.constant 0 : i32
      %dma_wait3A_51 = tpu.memref_slice %arg12[%add3A_13, %dma_wait3A_50] : memref<10000x16xf32, #tpu.memory_space<vmem_shared>> -> memref<125x16xf32, #tpu.memory_space<vmem_shared>>
      %dma_wait3A_52 = arith.constant 0 : i32
      %dma_wait3A_53 = tpu.memref_slice %arg12[%add3A_13, %dma_wait3A_52] : memref<10000x16xf32, #tpu.memory_space<vmem_shared>> -> memref<125x16xf32, #tpu.memory_space<vmem_shared>>
      %dma_wait3A_54 = arith.constant 0 : i32
      %dma_wait3A_55 = arith.constant 0 : i32
      %dma_wait3A_56 = tpu.memref_slice %arg11[%dma_wait3A_54, %dma_wait3A_55] : memref<128x16xf32, #tpu.memory_space<vmem>> -> memref<125x16xf32, #tpu.memory_space<vmem>>
      tpu.wait_dma2 semaphore(%run_scoped3A : memref<!tpu.dma_semaphore, #tpu.memory_space<semaphore_mem>>) src(%dma_wait3A_56 : memref<125x16xf32, #tpu.memory_space<vmem>>) dst(%dma_wait3A_53 : memref<125x16xf32, #tpu.memory_space<vmem_shared>>)
      tpu.yield
    }) : () -> ()
    %add3A_14 = arith.constant 125 : i32
    %add3A_15 = arith.addi %mul3A_11, %add3A_14 : i32
    "tpu.region"() ({
      %run_scoped3A = tpu.sem_alloc : memref<!tpu.dma_semaphore, #tpu.memory_space<semaphore_mem>>
      %dma_start3A = arith.constant 0 : i32
      %dma_start3A_39 = arith.constant 0 : i32
      %dma_start3A_40 = tpu.memref_slice %arg11[%dma_start3A, %dma_start3A_39] : memref<128x16xf32, #tpu.memory_space<vmem>> -> memref<125x16xf32, #tpu.memory_space<vmem>>
      %dma_start3A_41 = arith.constant 0 : i32
      %dma_start3A_42 = tpu.memref_slice %arg12[%add3A_15, %dma_start3A_41] : memref<10000x16xf32, #tpu.memory_space<vmem_shared>> -> memref<125x16xf32, #tpu.memory_space<vmem_shared>>
      %dma_start3A_43 = arith.constant 0 : i32
      %dma_start3A_44 = tpu.memref_slice %arg12[%add3A_15, %dma_start3A_43] : memref<10000x16xf32, #tpu.memory_space<vmem_shared>> -> memref<125x16xf32, #tpu.memory_space<vmem_shared>>
      %dma_start3A_45 = arith.constant 0 : i32
      %dma_start3A_46 = arith.constant 0 : i32
      %dma_start3A_47 = tpu.memref_slice %arg11[%dma_start3A_45, %dma_start3A_46] : memref<128x16xf32, #tpu.memory_space<vmem>> -> memref<125x16xf32, #tpu.memory_space<vmem>>
      tpu.enqueue_dma source(%dma_start3A_47 : memref<125x16xf32, #tpu.memory_space<vmem>>) target(%dma_start3A_44 : memref<125x16xf32, #tpu.memory_space<vmem_shared>>) target_semaphore(%run_scoped3A : memref<!tpu.dma_semaphore, #tpu.memory_space<semaphore_mem>>)
      %dma_wait3A = arith.constant 0 : i32
      %dma_wait3A_48 = arith.constant 0 : i32
      %dma_wait3A_49 = tpu.memref_slice %arg11[%dma_wait3A, %dma_wait3A_48] : memref<128x16xf32, #tpu.memory_space<vmem>> -> memref<125x16xf32, #tpu.memory_space<vmem>>
      %dma_wait3A_50 = arith.constant 0 : i32
      %dma_wait3A_51 = tpu.memref_slice %arg12[%add3A_15, %dma_wait3A_50] : memref<10000x16xf32, #tpu.memory_space<vmem_shared>> -> memref<125x16xf32, #tpu.memory_space<vmem_shared>>
      %dma_wait3A_52 = arith.constant 0 : i32
      %dma_wait3A_53 = tpu.memref_slice %arg12[%add3A_15, %dma_wait3A_52] : memref<10000x16xf32, #tpu.memory_space<vmem_shared>> -> memref<125x16xf32, #tpu.memory_space<vmem_shared>>
      %dma_wait3A_54 = arith.constant 0 : i32
      %dma_wait3A_55 = arith.constant 0 : i32
      %dma_wait3A_56 = tpu.memref_slice %arg11[%dma_wait3A_54, %dma_wait3A_55] : memref<128x16xf32, #tpu.memory_space<vmem>> -> memref<125x16xf32, #tpu.memory_space<vmem>>
      tpu.wait_dma2 semaphore(%run_scoped3A : memref<!tpu.dma_semaphore, #tpu.memory_space<semaphore_mem>>) src(%dma_wait3A_56 : memref<125x16xf32, #tpu.memory_space<vmem>>) dst(%dma_wait3A_53 : memref<125x16xf32, #tpu.memory_space<vmem_shared>>)
      tpu.yield
    }) : () -> ()
    %add3A_16 = arith.constant 250 : i32
    %add3A_17 = arith.addi %mul3A_11, %add3A_16 : i32
    "tpu.region"() ({
      %run_scoped3A = tpu.sem_alloc : memref<!tpu.dma_semaphore, #tpu.memory_space<semaphore_mem>>
      %dma_start3A = arith.constant 0 : i32
      %dma_start3A_39 = arith.constant 0 : i32
      %dma_start3A_40 = tpu.memref_slice %arg11[%dma_start3A, %dma_start3A_39] : memref<128x16xf32, #tpu.memory_space<vmem>> -> memref<125x16xf32, #tpu.memory_space<vmem>>
      %dma_start3A_41 = arith.constant 0 : i32
      %dma_start3A_42 = tpu.memref_slice %arg12[%add3A_17, %dma_start3A_41] : memref<10000x16xf32, #tpu.memory_space<vmem_shared>> -> memref<125x16xf32, #tpu.memory_space<vmem_shared>>
      %dma_start3A_43 = arith.constant 0 : i32
      %dma_start3A_44 = tpu.memref_slice %arg12[%add3A_17, %dma_start3A_43] : memref<10000x16xf32, #tpu.memory_space<vmem_shared>> -> memref<125x16xf32, #tpu.memory_space<vmem_shared>>
      %dma_start3A_45 = arith.constant 0 : i32
      %dma_start3A_46 = arith.constant 0 : i32
      %dma_start3A_47 = tpu.memref_slice %arg11[%dma_start3A_45, %dma_start3A_46] : memref<128x16xf32, #tpu.memory_space<vmem>> -> memref<125x16xf32, #tpu.memory_space<vmem>>
      tpu.enqueue_dma source(%dma_start3A_47 : memref<125x16xf32, #tpu.memory_space<vmem>>) target(%dma_start3A_44 : memref<125x16xf32, #tpu.memory_space<vmem_shared>>) target_semaphore(%run_scoped3A : memref<!tpu.dma_semaphore, #tpu.memory_space<semaphore_mem>>)
      %dma_wait3A = arith.constant 0 : i32
      %dma_wait3A_48 = arith.constant 0 : i32
      %dma_wait3A_49 = tpu.memref_slice %arg11[%dma_wait3A, %dma_wait3A_48] : memref<128x16xf32, #tpu.memory_space<vmem>> -> memref<125x16xf32, #tpu.memory_space<vmem>>
      %dma_wait3A_50 = arith.constant 0 : i32
      %dma_wait3A_51 = tpu.memref_slice %arg12[%add3A_17, %dma_wait3A_50] : memref<10000x16xf32, #tpu.memory_space<vmem_shared>> -> memref<125x16xf32, #tpu.memory_space<vmem_shared>>
      %dma_wait3A_52 = arith.constant 0 : i32
      %dma_wait3A_53 = tpu.memref_slice %arg12[%add3A_17, %dma_wait3A_52] : memref<10000x16xf32, #tpu.memory_space<vmem_shared>> -> memref<125x16xf32, #tpu.memory_space<vmem_shared>>
      %dma_wait3A_54 = arith.constant 0 : i32
      %dma_wait3A_55 = arith.constant 0 : i32
      %dma_wait3A_56 = tpu.memref_slice %arg11[%dma_wait3A_54, %dma_wait3A_55] : memref<128x16xf32, #tpu.memory_space<vmem>> -> memref<125x16xf32, #tpu.memory_space<vmem>>
      tpu.wait_dma2 semaphore(%run_scoped3A : memref<!tpu.dma_semaphore, #tpu.memory_space<semaphore_mem>>) src(%dma_wait3A_56 : memref<125x16xf32, #tpu.memory_space<vmem>>) dst(%dma_wait3A_53 : memref<125x16xf32, #tpu.memory_space<vmem_shared>>)
      tpu.yield
    }) : () -> ()
    %add3A_18 = arith.constant 375 : i32
    %add3A_19 = arith.addi %mul3A_11, %add3A_18 : i32
    "tpu.region"() ({
      %run_scoped3A = tpu.sem_alloc : memref<!tpu.dma_semaphore, #tpu.memory_space<semaphore_mem>>
      %dma_start3A = arith.constant 0 : i32
      %dma_start3A_39 = arith.constant 0 : i32
      %dma_start3A_40 = tpu.memref_slice %arg11[%dma_start3A, %dma_start3A_39] : memref<128x16xf32, #tpu.memory_space<vmem>> -> memref<125x16xf32, #tpu.memory_space<vmem>>
      %dma_start3A_41 = arith.constant 0 : i32
      %dma_start3A_42 = tpu.memref_slice %arg12[%add3A_19, %dma_start3A_41] : memref<10000x16xf32, #tpu.memory_space<vmem_shared>> -> memref<125x16xf32, #tpu.memory_space<vmem_shared>>
      %dma_start3A_43 = arith.constant 0 : i32
      %dma_start3A_44 = tpu.memref_slice %arg12[%add3A_19, %dma_start3A_43] : memref<10000x16xf32, #tpu.memory_space<vmem_shared>> -> memref<125x16xf32, #tpu.memory_space<vmem_shared>>
      %dma_start3A_45 = arith.constant 0 : i32
      %dma_start3A_46 = arith.constant 0 : i32
      %dma_start3A_47 = tpu.memref_slice %arg11[%dma_start3A_45, %dma_start3A_46] : memref<128x16xf32, #tpu.memory_space<vmem>> -> memref<125x16xf32, #tpu.memory_space<vmem>>
      tpu.enqueue_dma source(%dma_start3A_47 : memref<125x16xf32, #tpu.memory_space<vmem>>) target(%dma_start3A_44 : memref<125x16xf32, #tpu.memory_space<vmem_shared>>) target_semaphore(%run_scoped3A : memref<!tpu.dma_semaphore, #tpu.memory_space<semaphore_mem>>)
      %dma_wait3A = arith.constant 0 : i32
      %dma_wait3A_48 = arith.constant 0 : i32
      %dma_wait3A_49 = tpu.memref_slice %arg11[%dma_wait3A, %dma_wait3A_48] : memref<128x16xf32, #tpu.memory_space<vmem>> -> memref<125x16xf32, #tpu.memory_space<vmem>>
      %dma_wait3A_50 = arith.constant 0 : i32
      %dma_wait3A_51 = tpu.memref_slice %arg12[%add3A_19, %dma_wait3A_50] : memref<10000x16xf32, #tpu.memory_space<vmem_shared>> -> memref<125x16xf32, #tpu.memory_space<vmem_shared>>
      %dma_wait3A_52 = arith.constant 0 : i32
      %dma_wait3A_53 = tpu.memref_slice %arg12[%add3A_19, %dma_wait3A_52] : memref<10000x16xf32, #tpu.memory_space<vmem_shared>> -> memref<125x16xf32, #tpu.memory_space<vmem_shared>>
      %dma_wait3A_54 = arith.constant 0 : i32
      %dma_wait3A_55 = arith.constant 0 : i32
      %dma_wait3A_56 = tpu.memref_slice %arg11[%dma_wait3A_54, %dma_wait3A_55] : memref<128x16xf32, #tpu.memory_space<vmem>> -> memref<125x16xf32, #tpu.memory_space<vmem>>
      tpu.wait_dma2 semaphore(%run_scoped3A : memref<!tpu.dma_semaphore, #tpu.memory_space<semaphore_mem>>) src(%dma_wait3A_56 : memref<125x16xf32, #tpu.memory_space<vmem>>) dst(%dma_wait3A_53 : memref<125x16xf32, #tpu.memory_space<vmem_shared>>)
      tpu.yield
    }) : () -> ()
    %add3A_20 = arith.constant 500 : i32
    %add3A_21 = arith.addi %mul3A_11, %add3A_20 : i32
    "tpu.region"() ({
      %run_scoped3A = tpu.sem_alloc : memref<!tpu.dma_semaphore, #tpu.memory_space<semaphore_mem>>
      %dma_start3A = arith.constant 0 : i32
      %dma_start3A_39 = arith.constant 0 : i32
      %dma_start3A_40 = tpu.memref_slice %arg11[%dma_start3A, %dma_start3A_39] : memref<128x16xf32, #tpu.memory_space<vmem>> -> memref<125x16xf32, #tpu.memory_space<vmem>>
      %dma_start3A_41 = arith.constant 0 : i32
      %dma_start3A_42 = tpu.memref_slice %arg12[%add3A_21, %dma_start3A_41] : memref<10000x16xf32, #tpu.memory_space<vmem_shared>> -> memref<125x16xf32, #tpu.memory_space<vmem_shared>>
      %dma_start3A_43 = arith.constant 0 : i32
      %dma_start3A_44 = tpu.memref_slice %arg12[%add3A_21, %dma_start3A_43] : memref<10000x16xf32, #tpu.memory_space<vmem_shared>> -> memref<125x16xf32, #tpu.memory_space<vmem_shared>>
      %dma_start3A_45 = arith.constant 0 : i32
      %dma_start3A_46 = arith.constant 0 : i32
      %dma_start3A_47 = tpu.memref_slice %arg11[%dma_start3A_45, %dma_start3A_46] : memref<128x16xf32, #tpu.memory_space<vmem>> -> memref<125x16xf32, #tpu.memory_space<vmem>>
      tpu.enqueue_dma source(%dma_start3A_47 : memref<125x16xf32, #tpu.memory_space<vmem>>) target(%dma_start3A_44 : memref<125x16xf32, #tpu.memory_space<vmem_shared>>) target_semaphore(%run_scoped3A : memref<!tpu.dma_semaphore, #tpu.memory_space<semaphore_mem>>)
      %dma_wait3A = arith.constant 0 : i32
      %dma_wait3A_48 = arith.constant 0 : i32
      %dma_wait3A_49 = tpu.memref_slice %arg11[%dma_wait3A, %dma_wait3A_48] : memref<128x16xf32, #tpu.memory_space<vmem>> -> memref<125x16xf32, #tpu.memory_space<vmem>>
      %dma_wait3A_50 = arith.constant 0 : i32
      %dma_wait3A_51 = tpu.memref_slice %arg12[%add3A_21, %dma_wait3A_50] : memref<10000x16xf32, #tpu.memory_space<vmem_shared>> -> memref<125x16xf32, #tpu.memory_space<vmem_shared>>
      %dma_wait3A_52 = arith.constant 0 : i32
      %dma_wait3A_53 = tpu.memref_slice %arg12[%add3A_21, %dma_wait3A_52] : memref<10000x16xf32, #tpu.memory_space<vmem_shared>> -> memref<125x16xf32, #tpu.memory_space<vmem_shared>>
      %dma_wait3A_54 = arith.constant 0 : i32
      %dma_wait3A_55 = arith.constant 0 : i32
      %dma_wait3A_56 = tpu.memref_slice %arg11[%dma_wait3A_54, %dma_wait3A_55] : memref<128x16xf32, #tpu.memory_space<vmem>> -> memref<125x16xf32, #tpu.memory_space<vmem>>
      tpu.wait_dma2 semaphore(%run_scoped3A : memref<!tpu.dma_semaphore, #tpu.memory_space<semaphore_mem>>) src(%dma_wait3A_56 : memref<125x16xf32, #tpu.memory_space<vmem>>) dst(%dma_wait3A_53 : memref<125x16xf32, #tpu.memory_space<vmem_shared>>)
      tpu.yield
    }) : () -> ()
    %barrier3A = arith.constant 0 : index
    tpu.barrier barrier_id(%barrier3A)
    "tpu.region"() ({
      %run_scoped3A = tpu.sem_alloc : memref<!tpu.dma_semaphore, #tpu.memory_space<semaphore_mem>>
      %dma_start3A = arith.constant 0 : i32
      %dma_start3A_39 = arith.constant 0 : i32
      %dma_start3A_40 = tpu.memref_slice %arg3[%add3A, %dma_start3A, %dma_start3A_39] : memref<32x79x128xi32, #tpu.memory_space<hbm>> -> memref<1x79x128xi32, #tpu.memory_space<hbm>>
      %dma_start3A_41 = tpu.memref_squeeze %dma_start3A_40 : memref<1x79x128xi32, #tpu.memory_space<hbm>> -> memref<79x128xi32, #tpu.memory_space<hbm>>
      %dma_start3A_42 = arith.constant 0 : i32
      %dma_start3A_43 = arith.constant 0 : i32
      %dma_start3A_44 = tpu.memref_slice %arg3[%add3A, %dma_start3A_42, %dma_start3A_43] : memref<32x79x128xi32, #tpu.memory_space<hbm>> -> memref<1x79x128xi32, #tpu.memory_space<hbm>>
      %dma_start3A_45 = tpu.memref_squeeze %dma_start3A_44 : memref<1x79x128xi32, #tpu.memory_space<hbm>> -> memref<79x128xi32, #tpu.memory_space<hbm>>
      tpu.enqueue_dma source(%dma_start3A_45 : memref<79x128xi32, #tpu.memory_space<hbm>>) target(%arg7 : memref<79x128xi32, #tpu.memory_space<vmem>>) target_semaphore(%run_scoped3A : memref<!tpu.dma_semaphore, #tpu.memory_space<semaphore_mem>>)
      %dma_wait3A = arith.constant 0 : i32
      %dma_wait3A_46 = arith.constant 0 : i32
      %dma_wait3A_47 = tpu.memref_slice %arg3[%add3A, %dma_wait3A, %dma_wait3A_46] : memref<32x79x128xi32, #tpu.memory_space<hbm>> -> memref<1x79x128xi32, #tpu.memory_space<hbm>>
      %dma_wait3A_48 = tpu.memref_squeeze %dma_wait3A_47 : memref<1x79x128xi32, #tpu.memory_space<hbm>> -> memref<79x128xi32, #tpu.memory_space<hbm>>
      %dma_wait3A_49 = arith.constant 0 : i32
      %dma_wait3A_50 = arith.constant 0 : i32
      %dma_wait3A_51 = tpu.memref_slice %arg3[%add3A, %dma_wait3A_49, %dma_wait3A_50] : memref<32x79x128xi32, #tpu.memory_space<hbm>> -> memref<1x79x128xi32, #tpu.memory_space<hbm>>
      %dma_wait3A_52 = tpu.memref_squeeze %dma_wait3A_51 : memref<1x79x128xi32, #tpu.memory_space<hbm>> -> memref<79x128xi32, #tpu.memory_space<hbm>>
      tpu.wait_dma2 semaphore(%run_scoped3A : memref<!tpu.dma_semaphore, #tpu.memory_space<semaphore_mem>>) src(%dma_wait3A_52 : memref<79x128xi32, #tpu.memory_space<hbm>>) dst(%arg7 : memref<79x128xi32, #tpu.memory_space<vmem>>)
      tpu.yield
    }) : () -> ()
    "tpu.region"() ({
      %run_scoped3A = tpu.sem_alloc : memref<!tpu.dma_semaphore, #tpu.memory_space<semaphore_mem>>
      %dma_start3A = arith.constant 0 : i32
      %dma_start3A_39 = arith.constant 0 : i32
      %dma_start3A_40 = tpu.memref_slice %arg4[%add3A, %dma_start3A, %dma_start3A_39] : memref<32x79x128xi32, #tpu.memory_space<hbm>> -> memref<1x79x128xi32, #tpu.memory_space<hbm>>
      %dma_start3A_41 = tpu.memref_squeeze %dma_start3A_40 : memref<1x79x128xi32, #tpu.memory_space<hbm>> -> memref<79x128xi32, #tpu.memory_space<hbm>>
      %dma_start3A_42 = arith.constant 0 : i32
      %dma_start3A_43 = arith.constant 0 : i32
      %dma_start3A_44 = tpu.memref_slice %arg4[%add3A, %dma_start3A_42, %dma_start3A_43] : memref<32x79x128xi32, #tpu.memory_space<hbm>> -> memref<1x79x128xi32, #tpu.memory_space<hbm>>
      %dma_start3A_45 = tpu.memref_squeeze %dma_start3A_44 : memref<1x79x128xi32, #tpu.memory_space<hbm>> -> memref<79x128xi32, #tpu.memory_space<hbm>>
      tpu.enqueue_dma source(%dma_start3A_45 : memref<79x128xi32, #tpu.memory_space<hbm>>) target(%arg8 : memref<79x128xi32, #tpu.memory_space<vmem>>) target_semaphore(%run_scoped3A : memref<!tpu.dma_semaphore, #tpu.memory_space<semaphore_mem>>)
      %dma_wait3A = arith.constant 0 : i32
      %dma_wait3A_46 = arith.constant 0 : i32
      %dma_wait3A_47 = tpu.memref_slice %arg4[%add3A, %dma_wait3A, %dma_wait3A_46] : memref<32x79x128xi32, #tpu.memory_space<hbm>> -> memref<1x79x128xi32, #tpu.memory_space<hbm>>
      %dma_wait3A_48 = tpu.memref_squeeze %dma_wait3A_47 : memref<1x79x128xi32, #tpu.memory_space<hbm>> -> memref<79x128xi32, #tpu.memory_space<hbm>>
      %dma_wait3A_49 = arith.constant 0 : i32
      %dma_wait3A_50 = arith.constant 0 : i32
      %dma_wait3A_51 = tpu.memref_slice %arg4[%add3A, %dma_wait3A_49, %dma_wait3A_50] : memref<32x79x128xi32, #tpu.memory_space<hbm>> -> memref<1x79x128xi32, #tpu.memory_space<hbm>>
      %dma_wait3A_52 = tpu.memref_squeeze %dma_wait3A_51 : memref<1x79x128xi32, #tpu.memory_space<hbm>> -> memref<79x128xi32, #tpu.memory_space<hbm>>
      tpu.wait_dma2 semaphore(%run_scoped3A : memref<!tpu.dma_semaphore, #tpu.memory_space<semaphore_mem>>) src(%dma_wait3A_52 : memref<79x128xi32, #tpu.memory_space<hbm>>) dst(%arg8 : memref<79x128xi32, #tpu.memory_space<vmem>>)
      tpu.yield
    }) : () -> ()
    %scan3A_22 = arith.constant 0 : i32
    %scan3A_23 = arith.constant 0 : i32
    %scan3A_24 = arith.constant 79 : i32
    %scan3A_25 = arith.addi %scan3A_23, %scan3A_24 : i32
    %scan3A_26 = arith.constant 1 : i32
    scf.for %scan3A_39 = %scan3A_23 to %scan3A_25 step %scan3A_26  : i32 {
      %dma_start3A = arith.constant 0 : i32
      %dma_start3A_40 = tpu.memref_slice %arg7[%scan3A_39, %dma_start3A] : memref<79x128xi32, #tpu.memory_space<vmem>> -> memref<1x128xi32, #tpu.memory_space<vmem>>
      %dma_start3A_41 = tpu.memref_squeeze %dma_start3A_40 : memref<1x128xi32, #tpu.memory_space<vmem>> -> memref<128xi32, #tpu.memory_space<vmem>>
      %dma_start3A_42 = arith.constant 0 : i32
      %dma_start3A_43 = arith.constant 0 : i32
      %dma_start3A_44 = tpu.memref_slice %arg2[%dma_start3A_42, %dma_start3A_43] : memref<10000x48xf32, #tpu.memory_space<hbm>> -> memref<10000x48xf32, #tpu.memory_space<hbm>>
      tpu.enqueue_indirect_dma source(%dma_start3A_44 : memref<10000x48xf32, #tpu.memory_space<hbm>>) target(%arg10 : memref<128x48xf32, #tpu.memory_space<vmem>>) offsets(%dma_start3A_41 : memref<128xi32, #tpu.memory_space<vmem>>) semaphore(%arg13 : memref<!tpu.dma_semaphore, #tpu.memory_space<semaphore_mem>>)
      %dma_wait3A = arith.constant 0 : i32
      %dma_wait3A_45 = tpu.memref_slice %arg7[%scan3A_39, %dma_wait3A] : memref<79x128xi32, #tpu.memory_space<vmem>> -> memref<1x128xi32, #tpu.memory_space<vmem>>
      %dma_wait3A_46 = tpu.memref_squeeze %dma_wait3A_45 : memref<1x128xi32, #tpu.memory_space<vmem>> -> memref<128xi32, #tpu.memory_space<vmem>>
      %dma_wait3A_47 = arith.constant 0 : i32
      %dma_wait3A_48 = arith.constant 0 : i32
      %dma_wait3A_49 = tpu.memref_slice %arg2[%dma_wait3A_47, %dma_wait3A_48] : memref<10000x48xf32, #tpu.memory_space<hbm>> -> memref<10000x48xf32, #tpu.memory_space<hbm>>
      tpu.wait_indirect_dma semaphore(%arg13 : memref<!tpu.dma_semaphore, #tpu.memory_space<semaphore_mem>>) src(%dma_wait3A_49 : memref<10000x48xf32, #tpu.memory_space<hbm>>) dst(%arg10 : memref<128x48xf32, #tpu.memory_space<vmem>>)
      "tpu.region"() ({
        %run_scoped3A = tpu.sem_alloc : memref<!tpu.dma_semaphore, #tpu.memory_space<semaphore_mem>>
        %dma_start3A_56 = arith.constant 0 : i32
        %dma_start3A_57 = arith.constant 0 : i32
        %dma_start3A_58 = tpu.memref_slice %arg5[%add3A, %scan3A_39, %dma_start3A_56, %dma_start3A_57] : memref<32x79x128x16xf32, #tpu.memory_space<hbm>> -> memref<1x1x128x16xf32, #tpu.memory_space<hbm>>
        %dma_start3A_59 = tpu.memref_squeeze %dma_start3A_58 : memref<1x1x128x16xf32, #tpu.memory_space<hbm>> -> memref<128x16xf32, #tpu.memory_space<hbm>>
        %dma_start3A_60 = arith.constant 0 : i32
        %dma_start3A_61 = arith.constant 0 : i32
        %dma_start3A_62 = tpu.memref_slice %arg5[%add3A, %scan3A_39, %dma_start3A_60, %dma_start3A_61] : memref<32x79x128x16xf32, #tpu.memory_space<hbm>> -> memref<1x1x128x16xf32, #tpu.memory_space<hbm>>
        %dma_start3A_63 = tpu.memref_squeeze %dma_start3A_62 : memref<1x1x128x16xf32, #tpu.memory_space<hbm>> -> memref<128x16xf32, #tpu.memory_space<hbm>>
        tpu.enqueue_dma source(%dma_start3A_63 : memref<128x16xf32, #tpu.memory_space<hbm>>) target(%arg9 : memref<128x16xf32, #tpu.memory_space<vmem>>) target_semaphore(%run_scoped3A : memref<!tpu.dma_semaphore, #tpu.memory_space<semaphore_mem>>)
        %dma_wait3A_64 = arith.constant 0 : i32
        %dma_wait3A_65 = arith.constant 0 : i32
        %dma_wait3A_66 = tpu.memref_slice %arg5[%add3A, %scan3A_39, %dma_wait3A_64, %dma_wait3A_65] : memref<32x79x128x16xf32, #tpu.memory_space<hbm>> -> memref<1x1x128x16xf32, #tpu.memory_space<hbm>>
        %dma_wait3A_67 = tpu.memref_squeeze %dma_wait3A_66 : memref<1x1x128x16xf32, #tpu.memory_space<hbm>> -> memref<128x16xf32, #tpu.memory_space<hbm>>
        %dma_wait3A_68 = arith.constant 0 : i32
        %dma_wait3A_69 = arith.constant 0 : i32
        %dma_wait3A_70 = tpu.memref_slice %arg5[%add3A, %scan3A_39, %dma_wait3A_68, %dma_wait3A_69] : memref<32x79x128x16xf32, #tpu.memory_space<hbm>> -> memref<1x1x128x16xf32, #tpu.memory_space<hbm>>
        %dma_wait3A_71 = tpu.memref_squeeze %dma_wait3A_70 : memref<1x1x128x16xf32, #tpu.memory_space<hbm>> -> memref<128x16xf32, #tpu.memory_space<hbm>>
        tpu.wait_dma2 semaphore(%run_scoped3A : memref<!tpu.dma_semaphore, #tpu.memory_space<semaphore_mem>>) src(%dma_wait3A_71 : memref<128x16xf32, #tpu.memory_space<hbm>>) dst(%arg9 : memref<128x16xf32, #tpu.memory_space<vmem>>)
        tpu.yield
      }) : () -> ()
      %scan3A_50 = arith.constant 0 : i32
      %scan3A_51 = arith.constant 0 : i32
      %scan3A_52 = arith.constant 128 : i32
      %scan3A_53 = arith.addi %scan3A_51, %scan3A_52 : i32
      %scan3A_54 = arith.constant 1 : i32
      scf.for %scan3A_56 = %scan3A_51 to %scan3A_53 step %scan3A_54  : i32 {
        %get3A = arith.index_cast %scan3A_56 : i32 to index
        %get3A_57 = arith.constant 0 : index
        %get3A_58 = tpu.vector_load %arg9[%get3A, %get3A_57] {strides = array<i32>} : memref<128x16xf32, #tpu.memory_space<vmem>>, vector<1x16xf32>,
        %get3A_59 = vector.shape_cast %get3A_58 : vector<1x16xf32> to vector<16xf32>
        %broadcast_in_dim3A_60 = arith.constant 4 : i32
        %broadcast_in_dim3A_61 = vector.broadcast %broadcast_in_dim3A_60 : i32 to vector<16x1xi32>
        %gather3A = vector.shape_cast %broadcast_in_dim3A_61 : vector<16x1xi32> to vector<16xi32>
        %gather3A_62 = tpu.dynamic_gather %get3A_59[%gather3A] in [0] : vector<16xf32>, vector<16xi32> -> vector<16xf32>
        %broadcast_in_dim3A_63 = arith.constant 5 : i32
        %broadcast_in_dim3A_64 = vector.broadcast %broadcast_in_dim3A_63 : i32 to vector<16x1xi32>
        %gather3A_65 = vector.shape_cast %broadcast_in_dim3A_64 : vector<16x1xi32> to vector<16xi32>
        %gather3A_66 = tpu.dynamic_gather %get3A_59[%gather3A_65] in [0] : vector<16xf32>, vector<16xi32> -> vector<16xf32>
        %broadcast_in_dim3A_67 = arith.constant 6 : i32
        %broadcast_in_dim3A_68 = vector.broadcast %broadcast_in_dim3A_67 : i32 to vector<16x1xi32>
        %gather3A_69 = vector.shape_cast %broadcast_in_dim3A_68 : vector<16x1xi32> to vector<16xi32>
        %gather3A_70 = tpu.dynamic_gather %get3A_59[%gather3A_69] in [0] : vector<16xf32>, vector<16xi32> -> vector<16xf32>
        %get3A_71 = arith.index_cast %scan3A_56 : i32 to index
        %get3A_72 = arith.constant 0 : index
        %get3A_73 = tpu.vector_load %arg10[%get3A_71, %get3A_72] {strides = array<i32>} : memref<128x48xf32, #tpu.memory_space<vmem>>, vector<1x16xf32>,
        %get3A_74 = vector.shape_cast %get3A_73 : vector<1x16xf32> to vector<16xf32>
        %mul3A_75 = arith.mulf %gather3A_62, %get3A_74 : vector<16xf32>
        %get3A_76 = arith.index_cast %scan3A_56 : i32 to index
        %get3A_77 = arith.constant 16 : index
        %get3A_78 = tpu.vector_load %arg10[%get3A_76, %get3A_77] {strides = array<i32>} : memref<128x48xf32, #tpu.memory_space<vmem>>, vector<1x16xf32>,
        %get3A_79 = vector.shape_cast %get3A_78 : vector<1x16xf32> to vector<16xf32>
        %mul3A_80 = arith.mulf %gather3A_66, %get3A_79 : vector<16xf32>
        %add3A_81 = arith.addf %mul3A_75, %mul3A_80 : vector<16xf32>
        %get3A_82 = arith.index_cast %scan3A_56 : i32 to index
        %get3A_83 = arith.constant 32 : index
        %get3A_84 = tpu.vector_load %arg10[%get3A_82, %get3A_83] {strides = array<i32>} : memref<128x48xf32, #tpu.memory_space<vmem>>, vector<1x16xf32>,
        %get3A_85 = vector.shape_cast %get3A_84 : vector<1x16xf32> to vector<16xf32>
        %mul3A_86 = arith.mulf %gather3A_70, %get3A_85 : vector<16xf32>
        %add3A_87 = arith.addf %add3A_81, %mul3A_86 : vector<16xf32>
        %swap3A = arith.index_cast %scan3A_56 : i32 to index
        %swap3A_88 = arith.constant 0 : index
        %swap3A_89 = tpu.vector_load %arg11[%swap3A, %swap3A_88] {strides = array<i32>} : memref<128x16xf32, #tpu.memory_space<vmem>>, vector<1x16xf32>,
        %swap3A_90 = vector.shape_cast %swap3A_89 : vector<1x16xf32> to vector<16xf32>
        %swap3A_91 = vector.shape_cast %add3A_87 : vector<16xf32> to vector<1x16xf32>
        tpu.vector_store %arg11[%swap3A, %swap3A_88], %swap3A_91 {strides = array<i32>} : memref<128x16xf32, #tpu.memory_space<vmem>>, vector<1x16xf32>,
      }
      %scan3A_55 = arith.constant 128 : i32
      "tpu.region"() ({
        %run_scoped3A = tpu.sem_alloc : memref<!tpu.dma_semaphore, #tpu.memory_space<semaphore_mem>>
        %dma_start3A_56 = arith.constant 0 : i32
        %dma_start3A_57 = tpu.memref_slice %arg8[%scan3A_39, %dma_start3A_56] : memref<79x128xi32, #tpu.memory_space<vmem>> -> memref<1x128xi32, #tpu.memory_space<vmem>>
        %dma_start3A_58 = tpu.memref_squeeze %dma_start3A_57 : memref<1x128xi32, #tpu.memory_space<vmem>> -> memref<128xi32, #tpu.memory_space<vmem>>
        %dma_start3A_59 = arith.constant 0 : i32
        %dma_start3A_60 = arith.constant 0 : i32
        %dma_start3A_61 = tpu.memref_slice %arg12[%dma_start3A_59, %dma_start3A_60] : memref<10000x16xf32, #tpu.memory_space<vmem_shared>> -> memref<10000x16xf32, #tpu.memory_space<vmem_shared>>
        tpu.enqueue_indirect_dma source(%arg11 : memref<128x16xf32, #tpu.memory_space<vmem>>) target(%dma_start3A_61 : memref<10000x16xf32, #tpu.memory_space<vmem_shared>>) offsets(%dma_start3A_58 : memref<128xi32, #tpu.memory_space<vmem>>) semaphore(%run_scoped3A : memref<!tpu.dma_semaphore, #tpu.memory_space<semaphore_mem>>) {add = true}
        %dma_wait3A_62 = arith.constant 0 : i32
        %dma_wait3A_63 = tpu.memref_slice %arg8[%scan3A_39, %dma_wait3A_62] : memref<79x128xi32, #tpu.memory_space<vmem>> -> memref<1x128xi32, #tpu.memory_space<vmem>>
        %dma_wait3A_64 = tpu.memref_squeeze %dma_wait3A_63 : memref<1x128xi32, #tpu.memory_space<vmem>> -> memref<128xi32, #tpu.memory_space<vmem>>
        %dma_wait3A_65 = arith.constant 0 : i32
        %dma_wait3A_66 = arith.constant 0 : i32
        %dma_wait3A_67 = tpu.memref_slice %arg12[%dma_wait3A_65, %dma_wait3A_66] : memref<10000x16xf32, #tpu.memory_space<vmem_shared>> -> memref<10000x16xf32, #tpu.memory_space<vmem_shared>>
        tpu.wait_indirect_dma semaphore(%run_scoped3A : memref<!tpu.dma_semaphore, #tpu.memory_space<semaphore_mem>>) src(%arg11 : memref<128x16xf32, #tpu.memory_space<vmem>>) dst(%dma_wait3A_67 : memref<10000x16xf32, #tpu.memory_space<vmem_shared>>)
        tpu.yield
      }) : () -> ()
    }
    %scan3A_27 = arith.constant 79 : i32
    %barrier3A_28 = arith.constant 0 : index
    tpu.barrier barrier_id(%barrier3A_28)
    %add3A_29 = arith.constant 0 : i32
    %add3A_30 = arith.addi %mul3A_11, %add3A_29 : i32
    "tpu.region"() ({
      %run_scoped3A = tpu.sem_alloc : memref<!tpu.dma_semaphore, #tpu.memory_space<semaphore_mem>>
      %dma_start3A = arith.constant 0 : i32
      %dma_start3A_39 = tpu.memref_slice %arg6[%arg0, %add3A_30, %dma_start3A] : memref<2x10000x16xf32, #tpu.memory_space<hbm>> -> memref<1x125x16xf32, #tpu.memory_space<hbm>>
      %dma_start3A_40 = tpu.memref_squeeze %dma_start3A_39 : memref<1x125x16xf32, #tpu.memory_space<hbm>> -> memref<125x16xf32, #tpu.memory_space<hbm>>
      %dma_start3A_41 = arith.constant 0 : i32
      %dma_start3A_42 = tpu.memref_slice %arg12[%add3A_30, %dma_start3A_41] : memref<10000x16xf32, #tpu.memory_space<vmem_shared>> -> memref<125x16xf32, #tpu.memory_space<vmem_shared>>
      tpu.enqueue_dma source(%dma_start3A_42 : memref<125x16xf32, #tpu.memory_space<vmem_shared>>) target(%dma_start3A_40 : memref<125x16xf32, #tpu.memory_space<hbm>>) target_semaphore(%run_scoped3A : memref<!tpu.dma_semaphore, #tpu.memory_space<semaphore_mem>>)
      %dma_wait3A = arith.constant 0 : i32
      %dma_wait3A_43 = tpu.memref_slice %arg6[%arg0, %add3A_30, %dma_wait3A] : memref<2x10000x16xf32, #tpu.memory_space<hbm>> -> memref<1x125x16xf32, #tpu.memory_space<hbm>>
      %dma_wait3A_44 = tpu.memref_squeeze %dma_wait3A_43 : memref<1x125x16xf32, #tpu.memory_space<hbm>> -> memref<125x16xf32, #tpu.memory_space<hbm>>
      %dma_wait3A_45 = arith.constant 0 : i32
      %dma_wait3A_46 = tpu.memref_slice %arg12[%add3A_30, %dma_wait3A_45] : memref<10000x16xf32, #tpu.memory_space<vmem_shared>> -> memref<125x16xf32, #tpu.memory_space<vmem_shared>>
      tpu.wait_dma2 semaphore(%run_scoped3A : memref<!tpu.dma_semaphore, #tpu.memory_space<semaphore_mem>>) src(%dma_wait3A_46 : memref<125x16xf32, #tpu.memory_space<vmem_shared>>) dst(%dma_wait3A_44 : memref<125x16xf32, #tpu.memory_space<hbm>>)
      tpu.yield
    }) : () -> ()
    %add3A_31 = arith.constant 125 : i32
    %add3A_32 = arith.addi %mul3A_11, %add3A_31 : i32
    "tpu.region"() ({
      %run_scoped3A = tpu.sem_alloc : memref<!tpu.dma_semaphore, #tpu.memory_space<semaphore_mem>>
      %dma_start3A = arith.constant 0 : i32
      %dma_start3A_39 = tpu.memref_slice %arg6[%arg0, %add3A_32, %dma_start3A] : memref<2x10000x16xf32, #tpu.memory_space<hbm>> -> memref<1x125x16xf32, #tpu.memory_space<hbm>>
      %dma_start3A_40 = tpu.memref_squeeze %dma_start3A_39 : memref<1x125x16xf32, #tpu.memory_space<hbm>> -> memref<125x16xf32, #tpu.memory_space<hbm>>
      %dma_start3A_41 = arith.constant 0 : i32
      %dma_start3A_42 = tpu.memref_slice %arg12[%add3A_32, %dma_start3A_41] : memref<10000x16xf32, #tpu.memory_space<vmem_shared>> -> memref<125x16xf32, #tpu.memory_space<vmem_shared>>
      tpu.enqueue_dma source(%dma_start3A_42 : memref<125x16xf32, #tpu.memory_space<vmem_shared>>) target(%dma_start3A_40 : memref<125x16xf32, #tpu.memory_space<hbm>>) target_semaphore(%run_scoped3A : memref<!tpu.dma_semaphore, #tpu.memory_space<semaphore_mem>>)
      %dma_wait3A = arith.constant 0 : i32
      %dma_wait3A_43 = tpu.memref_slice %arg6[%arg0, %add3A_32, %dma_wait3A] : memref<2x10000x16xf32, #tpu.memory_space<hbm>> -> memref<1x125x16xf32, #tpu.memory_space<hbm>>
      %dma_wait3A_44 = tpu.memref_squeeze %dma_wait3A_43 : memref<1x125x16xf32, #tpu.memory_space<hbm>> -> memref<125x16xf32, #tpu.memory_space<hbm>>
      %dma_wait3A_45 = arith.constant 0 : i32
      %dma_wait3A_46 = tpu.memref_slice %arg12[%add3A_32, %dma_wait3A_45] : memref<10000x16xf32, #tpu.memory_space<vmem_shared>> -> memref<125x16xf32, #tpu.memory_space<vmem_shared>>
      tpu.wait_dma2 semaphore(%run_scoped3A : memref<!tpu.dma_semaphore, #tpu.memory_space<semaphore_mem>>) src(%dma_wait3A_46 : memref<125x16xf32, #tpu.memory_space<vmem_shared>>) dst(%dma_wait3A_44 : memref<125x16xf32, #tpu.memory_space<hbm>>)
      tpu.yield
    }) : () -> ()
    %add3A_33 = arith.constant 250 : i32
    %add3A_34 = arith.addi %mul3A_11, %add3A_33 : i32
    "tpu.region"() ({
      %run_scoped3A = tpu.sem_alloc : memref<!tpu.dma_semaphore, #tpu.memory_space<semaphore_mem>>
      %dma_start3A = arith.constant 0 : i32
      %dma_start3A_39 = tpu.memref_slice %arg6[%arg0, %add3A_34, %dma_start3A] : memref<2x10000x16xf32, #tpu.memory_space<hbm>> -> memref<1x125x16xf32, #tpu.memory_space<hbm>>
      %dma_start3A_40 = tpu.memref_squeeze %dma_start3A_39 : memref<1x125x16xf32, #tpu.memory_space<hbm>> -> memref<125x16xf32, #tpu.memory_space<hbm>>
      %dma_start3A_41 = arith.constant 0 : i32
      %dma_start3A_42 = tpu.memref_slice %arg12[%add3A_34, %dma_start3A_41] : memref<10000x16xf32, #tpu.memory_space<vmem_shared>> -> memref<125x16xf32, #tpu.memory_space<vmem_shared>>
      tpu.enqueue_dma source(%dma_start3A_42 : memref<125x16xf32, #tpu.memory_space<vmem_shared>>) target(%dma_start3A_40 : memref<125x16xf32, #tpu.memory_space<hbm>>) target_semaphore(%run_scoped3A : memref<!tpu.dma_semaphore, #tpu.memory_space<semaphore_mem>>)
      %dma_wait3A = arith.constant 0 : i32
      %dma_wait3A_43 = tpu.memref_slice %arg6[%arg0, %add3A_34, %dma_wait3A] : memref<2x10000x16xf32, #tpu.memory_space<hbm>> -> memref<1x125x16xf32, #tpu.memory_space<hbm>>
      %dma_wait3A_44 = tpu.memref_squeeze %dma_wait3A_43 : memref<1x125x16xf32, #tpu.memory_space<hbm>> -> memref<125x16xf32, #tpu.memory_space<hbm>>
      %dma_wait3A_45 = arith.constant 0 : i32
      %dma_wait3A_46 = tpu.memref_slice %arg12[%add3A_34, %dma_wait3A_45] : memref<10000x16xf32, #tpu.memory_space<vmem_shared>> -> memref<125x16xf32, #tpu.memory_space<vmem_shared>>
      tpu.wait_dma2 semaphore(%run_scoped3A : memref<!tpu.dma_semaphore, #tpu.memory_space<semaphore_mem>>) src(%dma_wait3A_46 : memref<125x16xf32, #tpu.memory_space<vmem_shared>>) dst(%dma_wait3A_44 : memref<125x16xf32, #tpu.memory_space<hbm>>)
      tpu.yield
    }) : () -> ()
    %add3A_35 = arith.constant 375 : i32
    %add3A_36 = arith.addi %mul3A_11, %add3A_35 : i32
    "tpu.region"() ({
      %run_scoped3A = tpu.sem_alloc : memref<!tpu.dma_semaphore, #tpu.memory_space<semaphore_mem>>
      %dma_start3A = arith.constant 0 : i32
      %dma_start3A_39 = tpu.memref_slice %arg6[%arg0, %add3A_36, %dma_start3A] : memref<2x10000x16xf32, #tpu.memory_space<hbm>> -> memref<1x125x16xf32, #tpu.memory_space<hbm>>
      %dma_start3A_40 = tpu.memref_squeeze %dma_start3A_39 : memref<1x125x16xf32, #tpu.memory_space<hbm>> -> memref<125x16xf32, #tpu.memory_space<hbm>>
      %dma_start3A_41 = arith.constant 0 : i32
      %dma_start3A_42 = tpu.memref_slice %arg12[%add3A_36, %dma_start3A_41] : memref<10000x16xf32, #tpu.memory_space<vmem_shared>> -> memref<125x16xf32, #tpu.memory_space<vmem_shared>>
      tpu.enqueue_dma source(%dma_start3A_42 : memref<125x16xf32, #tpu.memory_space<vmem_shared>>) target(%dma_start3A_40 : memref<125x16xf32, #tpu.memory_space<hbm>>) target_semaphore(%run_scoped3A : memref<!tpu.dma_semaphore, #tpu.memory_space<semaphore_mem>>)
      %dma_wait3A = arith.constant 0 : i32
      %dma_wait3A_43 = tpu.memref_slice %arg6[%arg0, %add3A_36, %dma_wait3A] : memref<2x10000x16xf32, #tpu.memory_space<hbm>> -> memref<1x125x16xf32, #tpu.memory_space<hbm>>
      %dma_wait3A_44 = tpu.memref_squeeze %dma_wait3A_43 : memref<1x125x16xf32, #tpu.memory_space<hbm>> -> memref<125x16xf32, #tpu.memory_space<hbm>>
      %dma_wait3A_45 = arith.constant 0 : i32
      %dma_wait3A_46 = tpu.memref_slice %arg12[%add3A_36, %dma_wait3A_45] : memref<10000x16xf32, #tpu.memory_space<vmem_shared>> -> memref<125x16xf32, #tpu.memory_space<vmem_shared>>
      tpu.wait_dma2 semaphore(%run_scoped3A : memref<!tpu.dma_semaphore, #tpu.memory_space<semaphore_mem>>) src(%dma_wait3A_46 : memref<125x16xf32, #tpu.memory_space<vmem_shared>>) dst(%dma_wait3A_44 : memref<125x16xf32, #tpu.memory_space<hbm>>)
      tpu.yield
    }) : () -> ()
    %add3A_37 = arith.constant 500 : i32
    %add3A_38 = arith.addi %mul3A_11, %add3A_37 : i32
    "tpu.region"() ({
      %run_scoped3A = tpu.sem_alloc : memref<!tpu.dma_semaphore, #tpu.memory_space<semaphore_mem>>
      %dma_start3A = arith.constant 0 : i32
      %dma_start3A_39 = tpu.memref_slice %arg6[%arg0, %add3A_38, %dma_start3A] : memref<2x10000x16xf32, #tpu.memory_space<hbm>> -> memref<1x125x16xf32, #tpu.memory_space<hbm>>
      %dma_start3A_40 = tpu.memref_squeeze %dma_start3A_39 : memref<1x125x16xf32, #tpu.memory_space<hbm>> -> memref<125x16xf32, #tpu.memory_space<hbm>>
      %dma_start3A_41 = arith.constant 0 : i32
      %dma_start3A_42 = tpu.memref_slice %arg12[%add3A_38, %dma_start3A_41] : memref<10000x16xf32, #tpu.memory_space<vmem_shared>> -> memref<125x16xf32, #tpu.memory_space<vmem_shared>>
      tpu.enqueue_dma source(%dma_start3A_42 : memref<125x16xf32, #tpu.memory_space<vmem_shared>>) target(%dma_start3A_40 : memref<125x16xf32, #tpu.memory_space<hbm>>) target_semaphore(%run_scoped3A : memref<!tpu.dma_semaphore, #tpu.memory_space<semaphore_mem>>)
      %dma_wait3A = arith.constant 0 : i32
      %dma_wait3A_43 = tpu.memref_slice %arg6[%arg0, %add3A_38, %dma_wait3A] : memref<2x10000x16xf32, #tpu.memory_space<hbm>> -> memref<1x125x16xf32, #tpu.memory_space<hbm>>
      %dma_wait3A_44 = tpu.memref_squeeze %dma_wait3A_43 : memref<1x125x16xf32, #tpu.memory_space<hbm>> -> memref<125x16xf32, #tpu.memory_space<hbm>>
      %dma_wait3A_45 = arith.constant 0 : i32
      %dma_wait3A_46 = tpu.memref_slice %arg12[%add3A_38, %dma_wait3A_45] : memref<10000x16xf32, #tpu.memory_space<vmem_shared>> -> memref<125x16xf32, #tpu.memory_space<vmem_shared>>
      tpu.wait_dma2 semaphore(%run_scoped3A : memref<!tpu.dma_semaphore, #tpu.memory_space<semaphore_mem>>) src(%dma_wait3A_46 : memref<125x16xf32, #tpu.memory_space<vmem_shared>>) dst(%dma_wait3A_44 : memref<125x16xf32, #tpu.memory_space<hbm>>)
      tpu.yield
    }) : () -> ()
    return
  }
}

module attributes {stable_mosaic.version = 14 : i64} {
  func.func @body(%arg0: i32, %arg1: memref<2048x2xf32, #tpu.memory_space<vmem>>, %arg2: memref<8x16xf32, #tpu.memory_space<vmem>>, %arg3: memref<2048x16xf32, #tpu.memory_space<vmem>>) attributes {dimension_semantics = [#tpu.dimension_semantics<arbitrary>], iteration_bounds = array<i64: 158>, scalar_prefetch = 0 : i64, scratch_operands = 0 : i64, tpu.core_type = #tpu.core_type<tc>, window_params = [{transform_indices = @transform_0, window_bounds = array<i64: 2048, 2>}, {pipeline_mode = #tpu.pipeline_mode<synchronous>, transform_indices = @transform_1, window_bounds = array<i64: 8, 16>}, {transform_indices = @transform_2, window_bounds = array<i64: 2048, 16>}]} {
    %get3A = arith.constant 0 : index
    %get3A_0 = arith.constant 0 : index
    %get3A_1 = vector.load %arg1[%get3A, %get3A_0] : memref<2048x2xf32, #tpu.memory_space<vmem>>, vector<2048x2xf32>
    %slice3A = vector.extract_strided_slice %get3A_1 {offsets = [0, 0], sizes = [2048, 1], strides = [1, 1]} : vector<2048x2xf32> to vector<2048x1xf32>
    %slice3A_2 = vector.extract_strided_slice %get3A_1 {offsets = [0, 1], sizes = [2048, 1], strides = [1, 1]} : vector<2048x2xf32> to vector<2048x1xf32>
    %get3A_3 = arith.constant 0 : index
    %get3A_4 = arith.constant 0 : index
    %get3A_5 = vector.load %arg2[%get3A_3, %get3A_4] : memref<8x16xf32, #tpu.memory_space<vmem>>, vector<8x16xf32>
    %mul3A = arith.mulf %slice3A, %slice3A : vector<2048x1xf32>
    %slice3A_6 = vector.extract_strided_slice %get3A_5 {offsets = [0, 0], sizes = [1, 16], strides = [1, 1]} : vector<8x16xf32> to vector<1x16xf32>
    %mul3A_7 = vector.broadcast %mul3A : vector<2048x1xf32> to vector<2048x16xf32>
    %mul3A_8 = vector.broadcast %slice3A_6 : vector<1x16xf32> to vector<2048x16xf32>
    %mul3A_9 = arith.mulf %mul3A_7, %mul3A_8 : vector<2048x16xf32>
    %mul3A_10 = arith.mulf %slice3A_2, %slice3A_2 : vector<2048x1xf32>
    %slice3A_11 = vector.extract_strided_slice %get3A_5 {offsets = [1, 0], sizes = [1, 16], strides = [1, 1]} : vector<8x16xf32> to vector<1x16xf32>
    %mul3A_12 = vector.broadcast %mul3A_10 : vector<2048x1xf32> to vector<2048x16xf32>
    %mul3A_13 = vector.broadcast %slice3A_11 : vector<1x16xf32> to vector<2048x16xf32>
    %mul3A_14 = arith.mulf %mul3A_12, %mul3A_13 : vector<2048x16xf32>
    %add3A = arith.addf %mul3A_9, %mul3A_14 : vector<2048x16xf32>
    %slice3A_15 = vector.extract_strided_slice %get3A_5 {offsets = [2, 0], sizes = [1, 16], strides = [1, 1]} : vector<8x16xf32> to vector<1x16xf32>
    %mul3A_16 = vector.broadcast %slice3A : vector<2048x1xf32> to vector<2048x16xf32>
    %mul3A_17 = vector.broadcast %slice3A_15 : vector<1x16xf32> to vector<2048x16xf32>
    %mul3A_18 = arith.mulf %mul3A_16, %mul3A_17 : vector<2048x16xf32>
    %add3A_19 = arith.addf %add3A, %mul3A_18 : vector<2048x16xf32>
    %slice3A_20 = vector.extract_strided_slice %get3A_5 {offsets = [3, 0], sizes = [1, 16], strides = [1, 1]} : vector<8x16xf32> to vector<1x16xf32>
    %mul3A_21 = vector.broadcast %slice3A_2 : vector<2048x1xf32> to vector<2048x16xf32>
    %mul3A_22 = vector.broadcast %slice3A_20 : vector<1x16xf32> to vector<2048x16xf32>
    %mul3A_23 = arith.mulf %mul3A_21, %mul3A_22 : vector<2048x16xf32>
    %add3A_24 = arith.addf %add3A_19, %mul3A_23 : vector<2048x16xf32>
    %slice3A_25 = vector.extract_strided_slice %get3A_5 {offsets = [4, 0], sizes = [1, 16], strides = [1, 1]} : vector<8x16xf32> to vector<1x16xf32>
    %add3A_26 = vector.broadcast %slice3A_25 : vector<1x16xf32> to vector<2048x16xf32>
    %add3A_27 = arith.addf %add3A_24, %add3A_26 : vector<2048x16xf32>
    %exp3A = math.exp %add3A_27 : vector<2048x16xf32>
    %mul3A_28 = arith.constant 2048 : i32
    %mul3A_29 = arith.muli %arg0, %mul3A_28 : i32
    %iota3A = tpu.iota {dimensions = array<i32: 0>} : vector<2048x16xi32>
    %add3A_30 = vector.broadcast %mul3A_29 : i32 to vector<2048x16xi32>
    %add3A_31 = arith.addi %add3A_30, %iota3A : vector<2048x16xi32>
    %lt3A = arith.constant 320000 : i32
    %lt3A_32 = vector.broadcast %lt3A : i32 to vector<2048x16xi32>
    %lt3A_33 = arith.cmpi slt, %add3A_31, %lt3A_32 : vector<2048x16xi32>
    %jit3A = arith.constant 0.000000e+00 : f32
    %broadcast_in_dim3A = vector.broadcast %jit3A : f32 to vector<2048x16xf32>
    %select_n3A = arith.select %lt3A_33, %exp3A, %broadcast_in_dim3A : vector<2048x16xi1>, vector<2048x16xf32>
    %swap3A = arith.constant 0 : index
    %swap3A_34 = arith.constant 0 : index
    %swap3A_35 = vector.load %arg3[%swap3A, %swap3A_34] : memref<2048x16xf32, #tpu.memory_space<vmem>>, vector<2048x16xf32>
    tpu.vector_store %arg3[%swap3A, %swap3A_34], %select_n3A {strides = array<i32>} : memref<2048x16xf32, #tpu.memory_space<vmem>>, vector<2048x16xf32>,
    return
  }
  func.func @transform_0(%arg0: i32) -> (i32, i32) {
    %c0_i32 = arith.constant 0 : i32
    %c0_i32_0 = arith.constant 0 : i32
    return %arg0, %c0_i32 : i32, i32
  }
  func.func @transform_1(%arg0: i32) -> (i32, i32) {
    %c0_i32 = arith.constant 0 : i32
    %c0_i32_0 = arith.constant 0 : i32
    %c0_i32_1 = arith.constant 0 : i32
    return %c0_i32, %c0_i32_0 : i32, i32
  }
  func.func @transform_2(%arg0: i32) -> (i32, i32) {
    %c0_i32 = arith.constant 0 : i32
    %c0_i32_0 = arith.constant 0 : i32
    return %arg0, %c0_i32 : i32, i32
  }
}

module attributes {stable_mosaic.version = 14 : i64} {
  func.func @body(%arg0: i32, %arg1: memref<1000x128xf32, #tpu.memory_space<vmem>>, %arg2: memref<128x192xf32, #tpu.memory_space<vmem>>, %arg3: memref<128x64xf32, #tpu.memory_space<vmem>>, %arg4: memref<1000x192xf32, #tpu.memory_space<vmem>>, %arg5: memref<1000x64xf32, #tpu.memory_space<vmem>>) attributes {dimension_semantics = [#tpu.dimension_semantics<arbitrary>], iteration_bounds = array<i64: 10>, scalar_prefetch = 0 : i64, scratch_operands = 0 : i64, tpu.core_type = #tpu.core_type<tc>, window_params = [{transform_indices = @transform_0, window_bounds = array<i64: 1000, 128>}, {pipeline_mode = #tpu.pipeline_mode<synchronous>, transform_indices = @transform_1, window_bounds = array<i64: 128, 192>}, {pipeline_mode = #tpu.pipeline_mode<synchronous>, transform_indices = @transform_2, window_bounds = array<i64: 128, 64>}, {transform_indices = @transform_3, window_bounds = array<i64: 1000, 192>}, {transform_indices = @transform_4, window_bounds = array<i64: 1000, 64>}]} {
    %get3A = arith.constant 0 : index
    %get3A_0 = arith.constant 0 : index
    %get3A_1 = vector.load %arg1[%get3A, %get3A_0] : memref<1000x128xf32, #tpu.memory_space<vmem>>, vector<1000x128xf32>
    %get3A_2 = arith.constant 0 : index
    %get3A_3 = arith.constant 0 : index
    %get3A_4 = vector.load %arg2[%get3A_2, %get3A_3] : memref<128x192xf32, #tpu.memory_space<vmem>>, vector<128x192xf32>
    %dot_general3A = arith.constant dense<0.000000e+00> : vector<1000x192xf32>
    %dot_general3A_5 = tpu.matmul %get3A_1, %get3A_4, %dot_general3A {dimension_numbers = #tpu.dot_dimension_numbers<[1], [0], [0], [1], [0, 0, 1, 1], [], []>, transpose_lhs_hint = false} : vector<1000x128xf32>, vector<128x192xf32>, vector<1000x192xf32> -> vector<1000x192xf32>
    %swap3A = arith.constant 0 : index
    %swap3A_6 = arith.constant 0 : index
    %swap3A_7 = vector.load %arg4[%swap3A, %swap3A_6] : memref<1000x192xf32, #tpu.memory_space<vmem>>, vector<1000x192xf32>
    tpu.vector_store %arg4[%swap3A, %swap3A_6], %dot_general3A_5 {strides = array<i32>} : memref<1000x192xf32, #tpu.memory_space<vmem>>, vector<1000x192xf32>,
    %get3A_8 = arith.constant 0 : index
    %get3A_9 = arith.constant 0 : index
    %get3A_10 = vector.load %arg3[%get3A_8, %get3A_9] : memref<128x64xf32, #tpu.memory_space<vmem>>, vector<128x64xf32>
    %dot_general3A_11 = arith.constant dense<0.000000e+00> : vector<1000x64xf32>
    %dot_general3A_12 = tpu.matmul %get3A_1, %get3A_10, %dot_general3A_11 {dimension_numbers = #tpu.dot_dimension_numbers<[1], [0], [0], [1], [0, 0, 1, 1], [], []>, transpose_lhs_hint = false} : vector<1000x128xf32>, vector<128x64xf32>, vector<1000x64xf32> -> vector<1000x64xf32>
    %swap3A_13 = arith.constant 0 : index
    %swap3A_14 = arith.constant 0 : index
    %swap3A_15 = vector.load %arg5[%swap3A_13, %swap3A_14] : memref<1000x64xf32, #tpu.memory_space<vmem>>, vector<1000x64xf32>
    tpu.vector_store %arg5[%swap3A_13, %swap3A_14], %dot_general3A_12 {strides = array<i32>} : memref<1000x64xf32, #tpu.memory_space<vmem>>, vector<1000x64xf32>,
    return
  }
  func.func @transform_0(%arg0: i32) -> (i32, i32) {
    %c0_i32 = arith.constant 0 : i32
    %c0_i32_0 = arith.constant 0 : i32
    return %arg0, %c0_i32 : i32, i32
  }
  func.func @transform_1(%arg0: i32) -> (i32, i32) {
    %c0_i32 = arith.constant 0 : i32
    %c0_i32_0 = arith.constant 0 : i32
    %c0_i32_1 = arith.constant 0 : i32
    return %c0_i32, %c0_i32_0 : i32, i32
  }
  func.func @transform_2(%arg0: i32) -> (i32, i32) {
    %c0_i32 = arith.constant 0 : i32
    %c0_i32_0 = arith.constant 0 : i32
    %c0_i32_1 = arith.constant 0 : i32
    return %c0_i32, %c0_i32_0 : i32, i32
  }
  func.func @transform_3(%arg0: i32) -> (i32, i32) {
    %c0_i32 = arith.constant 0 : i32
    %c0_i32_0 = arith.constant 0 : i32
    return %arg0, %c0_i32 : i32, i32
  }
  func.func @transform_4(%arg0: i32) -> (i32, i32) {
    %c0_i32 = arith.constant 0 : i32
    %c0_i32_0 = arith.constant 0 : i32
    return %arg0, %c0_i32 : i32, i32
  }
}

module attributes {stable_mosaic.version = 14 : i64} {
  func.func @body(%arg0: i32, %arg1: memref<2x1000x80xf32, #tpu.memory_space<vmem>>, %arg2: memref<1000x64xf32, #tpu.memory_space<vmem>>, %arg3: memref<1x64xf32, #tpu.memory_space<vmem>>, %arg4: memref<64x48xf32, #tpu.memory_space<vmem>>, %arg5: memref<64x16xf32, #tpu.memory_space<vmem>>, %arg6: memref<1000x48xf32, #tpu.memory_space<vmem>>, %arg7: memref<1000x16xf32, #tpu.memory_space<vmem>>, %arg8: memref<1000x16xf32, #tpu.memory_space<vmem>>) attributes {dimension_semantics = [#tpu.dimension_semantics<arbitrary>], iteration_bounds = array<i64: 10>, scalar_prefetch = 0 : i64, scratch_operands = 0 : i64, tpu.core_type = #tpu.core_type<tc>, window_params = [{transform_indices = @transform_0, window_bounds = array<i64: 2, 1000, 80>}, {transform_indices = @transform_1, window_bounds = array<i64: 1000, 64>}, {pipeline_mode = #tpu.pipeline_mode<synchronous>, transform_indices = @transform_2, window_bounds = array<i64: 1, 64>}, {pipeline_mode = #tpu.pipeline_mode<synchronous>, transform_indices = @transform_3, window_bounds = array<i64: 64, 48>}, {pipeline_mode = #tpu.pipeline_mode<synchronous>, transform_indices = @transform_4, window_bounds = array<i64: 64, 16>}, {transform_indices = @transform_5, window_bounds = array<i64: 1000, 48>}, {transform_indices = @transform_6, window_bounds = array<i64: 1000, 16>}, {transform_indices = @transform_7, window_bounds = array<i64: 1000, 16>}]} {
    %get3A = arith.constant 0 : index
    %get3A_0 = arith.constant 0 : index
    %get3A_1 = arith.constant 0 : index
    %get3A_2 = vector.load %arg1[%get3A, %get3A_0, %get3A_1] : memref<2x1000x80xf32, #tpu.memory_space<vmem>>, vector<1x1000x80xf32>
    %get3A_3 = vector.shape_cast %get3A_2 : vector<1x1000x80xf32> to vector<1000x80xf32>
    %get3A_4 = arith.constant 1 : index
    %get3A_5 = arith.constant 0 : index
    %get3A_6 = arith.constant 0 : index
    %get3A_7 = vector.load %arg1[%get3A_4, %get3A_5, %get3A_6] : memref<2x1000x80xf32, #tpu.memory_space<vmem>>, vector<1x1000x80xf32>
    %get3A_8 = vector.shape_cast %get3A_7 : vector<1x1000x80xf32> to vector<1000x80xf32>
    %add3A = arith.addf %get3A_3, %get3A_8 : vector<1000x80xf32>
    %slice3A = vector.extract_strided_slice %add3A {offsets = [0, 64], sizes = [1000, 1], strides = [1, 1]} : vector<1000x80xf32> to vector<1000x1xf32>
    %max3A = arith.constant 1.000000e+00 : f32
    %max3A_9 = vector.broadcast %max3A : f32 to vector<1000x1xf32>
    %max3A_10 = arith.maximumf %slice3A, %max3A_9 : vector<1000x1xf32>
    %slice3A_11 = vector.extract_strided_slice %add3A {offsets = [0, 0], sizes = [1000, 64], strides = [1, 1]} : vector<1000x80xf32> to vector<1000x64xf32>
    %div3A = vector.broadcast %max3A_10 : vector<1000x1xf32> to vector<1000x64xf32>
    %div3A_12 = arith.divf %slice3A_11, %div3A : vector<1000x64xf32>
    %get3A_13 = arith.constant 0 : index
    %get3A_14 = arith.constant 0 : index
    %get3A_15 = vector.load %arg2[%get3A_13, %get3A_14] : memref<1000x64xf32, #tpu.memory_space<vmem>>, vector<1000x64xf32>
    %add3A_16 = arith.addf %div3A_12, %get3A_15 : vector<1000x64xf32>
    %get3A_17 = arith.constant 0 : index
    %get3A_18 = arith.constant 0 : index
    %get3A_19 = vector.load %arg3[%get3A_17, %get3A_18] : memref<1x64xf32, #tpu.memory_space<vmem>>, vector<1x64xf32>
    %add3A_20 = vector.broadcast %get3A_19 : vector<1x64xf32> to vector<1000x64xf32>
    %add3A_21 = arith.addf %add3A_16, %add3A_20 : vector<1000x64xf32>
    %gt3A = arith.constant 0.000000e+00 : f32
    %gt3A_22 = vector.broadcast %gt3A : f32 to vector<1000x64xf32>
    %gt3A_23 = arith.cmpf ogt, %add3A_21, %gt3A_22 : vector<1000x64xf32>
    %min3A = arith.constant 0.000000e+00 : f32
    %min3A_24 = vector.broadcast %min3A : f32 to vector<1000x64xf32>
    %min3A_25 = arith.minimumf %add3A_21, %min3A_24 : vector<1000x64xf32>
    %exp3A = math.exp %min3A_25 : vector<1000x64xf32>
    %sub3A = arith.constant 1.000000e+00 : f32
    %sub3A_26 = vector.broadcast %sub3A : f32 to vector<1000x64xf32>
    %sub3A_27 = arith.subf %exp3A, %sub3A_26 : vector<1000x64xf32>
    %select_n3A = arith.select %gt3A_23, %add3A_21, %sub3A_27 : vector<1000x64xi1>, vector<1000x64xf32>
    %get3A_28 = arith.constant 0 : index
    %get3A_29 = arith.constant 0 : index
    %get3A_30 = vector.load %arg4[%get3A_28, %get3A_29] : memref<64x48xf32, #tpu.memory_space<vmem>>, vector<64x48xf32>
    %dot_general3A = arith.constant dense<0.000000e+00> : vector<1000x48xf32>
    %dot_general3A_31 = tpu.matmul %select_n3A, %get3A_30, %dot_general3A {dimension_numbers = #tpu.dot_dimension_numbers<[1], [0], [0], [1], [0, 0, 1, 1], [], []>, transpose_lhs_hint = false} : vector<1000x64xf32>, vector<64x48xf32>, vector<1000x48xf32> -> vector<1000x48xf32>
    %swap3A = arith.constant 0 : index
    %swap3A_32 = arith.constant 0 : index
    %swap3A_33 = vector.load %arg6[%swap3A, %swap3A_32] : memref<1000x48xf32, #tpu.memory_space<vmem>>, vector<1000x48xf32>
    tpu.vector_store %arg6[%swap3A, %swap3A_32], %dot_general3A_31 {strides = array<i32>} : memref<1000x48xf32, #tpu.memory_space<vmem>>, vector<1000x48xf32>,
    %get3A_34 = arith.constant 0 : index
    %get3A_35 = arith.constant 0 : index
    %get3A_36 = vector.load %arg5[%get3A_34, %get3A_35] : memref<64x16xf32, #tpu.memory_space<vmem>>, vector<64x16xf32>
    %dot_general3A_37 = arith.constant dense<0.000000e+00> : vector<1000x16xf32>
    %dot_general3A_38 = tpu.matmul %select_n3A, %get3A_36, %dot_general3A_37 {dimension_numbers = #tpu.dot_dimension_numbers<[1], [0], [0], [1], [0, 0, 1, 1], [], []>, transpose_lhs_hint = false} : vector<1000x64xf32>, vector<64x16xf32>, vector<1000x16xf32> -> vector<1000x16xf32>
    %swap3A_39 = arith.constant 0 : index
    %swap3A_40 = arith.constant 0 : index
    %swap3A_41 = vector.load %arg7[%swap3A_39, %swap3A_40] : memref<1000x16xf32, #tpu.memory_space<vmem>>, vector<1000x16xf32>
    tpu.vector_store %arg7[%swap3A_39, %swap3A_40], %dot_general3A_38 {strides = array<i32>} : memref<1000x16xf32, #tpu.memory_space<vmem>>, vector<1000x16xf32>,
    %broadcast_in_dim3A = vector.shape_cast %max3A_10 : vector<1000x1xf32> to vector<1000x1xf32>
    %broadcast_in_dim3A_42 = vector.broadcast %broadcast_in_dim3A : vector<1000x1xf32> to vector<1000x16xf32>
    %swap3A_43 = arith.constant 0 : index
    %swap3A_44 = arith.constant 0 : index
    %swap3A_45 = vector.load %arg8[%swap3A_43, %swap3A_44] : memref<1000x16xf32, #tpu.memory_space<vmem>>, vector<1000x16xf32>
    tpu.vector_store %arg8[%swap3A_43, %swap3A_44], %broadcast_in_dim3A_42 {strides = array<i32>} : memref<1000x16xf32, #tpu.memory_space<vmem>>, vector<1000x16xf32>,
    return
  }
  func.func @transform_0(%arg0: i32) -> (i32, i32, i32) {
    %c0_i32 = arith.constant 0 : i32
    %c0_i32_0 = arith.constant 0 : i32
    %c0_i32_1 = arith.constant 0 : i32
    return %c0_i32, %arg0, %c0_i32_0 : i32, i32, i32
  }
  func.func @transform_1(%arg0: i32) -> (i32, i32) {
    %c0_i32 = arith.constant 0 : i32
    %c0_i32_0 = arith.constant 0 : i32
    return %arg0, %c0_i32 : i32, i32
  }
  func.func @transform_2(%arg0: i32) -> (i32, i32) {
    %c0_i32 = arith.constant 0 : i32
    %c0_i32_0 = arith.constant 0 : i32
    %c0_i32_1 = arith.constant 0 : i32
    return %c0_i32, %c0_i32_0 : i32, i32
  }
  func.func @transform_3(%arg0: i32) -> (i32, i32) {
    %c0_i32 = arith.constant 0 : i32
    %c0_i32_0 = arith.constant 0 : i32
    %c0_i32_1 = arith.constant 0 : i32
    return %c0_i32, %c0_i32_0 : i32, i32
  }
  func.func @transform_4(%arg0: i32) -> (i32, i32) {
    %c0_i32 = arith.constant 0 : i32
    %c0_i32_0 = arith.constant 0 : i32
    %c0_i32_1 = arith.constant 0 : i32
    return %c0_i32, %c0_i32_0 : i32, i32
  }
  func.func @transform_5(%arg0: i32) -> (i32, i32) {
    %c0_i32 = arith.constant 0 : i32
    %c0_i32_0 = arith.constant 0 : i32
    return %arg0, %c0_i32 : i32, i32
  }
  func.func @transform_6(%arg0: i32) -> (i32, i32) {
    %c0_i32 = arith.constant 0 : i32
    %c0_i32_0 = arith.constant 0 : i32
    return %arg0, %c0_i32 : i32, i32
  }
  func.func @transform_7(%arg0: i32) -> (i32, i32) {
    %c0_i32 = arith.constant 0 : i32
    %c0_i32_0 = arith.constant 0 : i32
    return %arg0, %c0_i32 : i32, i32
  }
}

module attributes {stable_mosaic.version = 14 : i64} {
  func.func @body(%arg0: i32, %arg1: memref<2x1000x16xf32, #tpu.memory_space<vmem>>, %arg2: memref<1000x16xf32, #tpu.memory_space<vmem>>, %arg3: memref<1000x16xf32, #tpu.memory_space<vmem>>, %arg4: memref<1x16xf32, #tpu.memory_space<vmem>>, %arg5: memref<1000x16xf32, #tpu.memory_space<vmem>>) attributes {dimension_semantics = [#tpu.dimension_semantics<arbitrary>], iteration_bounds = array<i64: 10>, scalar_prefetch = 0 : i64, scratch_operands = 0 : i64, tpu.core_type = #tpu.core_type<tc>, window_params = [{transform_indices = @transform_0, window_bounds = array<i64: 2, 1000, 16>}, {transform_indices = @transform_1, window_bounds = array<i64: 1000, 16>}, {transform_indices = @transform_2, window_bounds = array<i64: 1000, 16>}, {pipeline_mode = #tpu.pipeline_mode<synchronous>, transform_indices = @transform_3, window_bounds = array<i64: 1, 16>}, {transform_indices = @transform_4, window_bounds = array<i64: 1000, 16>}]} {
    %get3A = arith.constant 0 : index
    %get3A_0 = arith.constant 0 : index
    %get3A_1 = arith.constant 0 : index
    %get3A_2 = vector.load %arg1[%get3A, %get3A_0, %get3A_1] : memref<2x1000x16xf32, #tpu.memory_space<vmem>>, vector<1x1000x16xf32>
    %get3A_3 = vector.shape_cast %get3A_2 : vector<1x1000x16xf32> to vector<1000x16xf32>
    %get3A_4 = arith.constant 1 : index
    %get3A_5 = arith.constant 0 : index
    %get3A_6 = arith.constant 0 : index
    %get3A_7 = vector.load %arg1[%get3A_4, %get3A_5, %get3A_6] : memref<2x1000x16xf32, #tpu.memory_space<vmem>>, vector<1x1000x16xf32>
    %get3A_8 = vector.shape_cast %get3A_7 : vector<1x1000x16xf32> to vector<1000x16xf32>
    %add3A = arith.addf %get3A_3, %get3A_8 : vector<1000x16xf32>
    %get3A_9 = arith.constant 0 : index
    %get3A_10 = arith.constant 0 : index
    %get3A_11 = vector.load %arg3[%get3A_9, %get3A_10] : memref<1000x16xf32, #tpu.memory_space<vmem>>, vector<1000x16xf32>
    %div3A = arith.divf %add3A, %get3A_11 : vector<1000x16xf32>
    %get3A_12 = arith.constant 0 : index
    %get3A_13 = arith.constant 0 : index
    %get3A_14 = vector.load %arg2[%get3A_12, %get3A_13] : memref<1000x16xf32, #tpu.memory_space<vmem>>, vector<1000x16xf32>
    %add3A_15 = arith.addf %div3A, %get3A_14 : vector<1000x16xf32>
    %get3A_16 = arith.constant 0 : index
    %get3A_17 = arith.constant 0 : index
    %get3A_18 = vector.load %arg4[%get3A_16, %get3A_17] : memref<1x16xf32, #tpu.memory_space<vmem>>, vector<1x16xf32>
    %add3A_19 = vector.broadcast %get3A_18 : vector<1x16xf32> to vector<1000x16xf32>
    %add3A_20 = arith.addf %add3A_15, %add3A_19 : vector<1000x16xf32>
    %iota3A = tpu.iota {dimensions = array<i32: 1>} : vector<1000x16xi32>
    %lt3A = arith.constant 10 : i32
    %lt3A_21 = vector.broadcast %lt3A : i32 to vector<1000x16xi32>
    %lt3A_22 = arith.cmpi slt, %iota3A, %lt3A_21 : vector<1000x16xi32>
    %jit3A = arith.constant -1.000000e+30 : f32
    %broadcast_in_dim3A = vector.broadcast %jit3A : f32 to vector<1000x16xf32>
    %select_n3A = arith.select %lt3A_22, %add3A_20, %broadcast_in_dim3A : vector<1000x16xi1>, vector<1000x16xf32>
    %reduce_max3A = arith.constant dense<0xFF800000> : vector<1000xf32>
    %reduce_max3A_23 = vector.multi_reduction <maximumf>, %select_n3A, %reduce_max3A [1] : vector<1000x16xf32> to vector<1000xf32>
    %broadcast_in_dim3A_24 = vector.shape_cast %reduce_max3A_23 : vector<1000xf32> to vector<1000x1xf32>
    %sub3A = vector.broadcast %broadcast_in_dim3A_24 : vector<1000x1xf32> to vector<1000x16xf32>
    %sub3A_25 = arith.subf %add3A_20, %sub3A : vector<1000x16xf32>
    %exp3A = math.exp %sub3A_25 : vector<1000x16xf32>
    %jit3A_26 = arith.constant 0.000000e+00 : f32
    %broadcast_in_dim3A_27 = vector.broadcast %jit3A_26 : f32 to vector<1000x16xf32>
    %select_n3A_28 = arith.select %lt3A_22, %exp3A, %broadcast_in_dim3A_27 : vector<1000x16xi1>, vector<1000x16xf32>
    %reduce_sum3A = arith.constant dense<0.000000e+00> : vector<1000xf32>
    %reduce_sum3A_29 = vector.multi_reduction <add>, %select_n3A_28, %reduce_sum3A [1] : vector<1000x16xf32> to vector<1000xf32>
    %broadcast_in_dim3A_30 = vector.shape_cast %reduce_sum3A_29 : vector<1000xf32> to vector<1000x1xf32>
    %log3A = math.log %broadcast_in_dim3A_30 : vector<1000x1xf32>
    %sub3A_31 = vector.broadcast %broadcast_in_dim3A_24 : vector<1000x1xf32> to vector<1000x16xf32>
    %sub3A_32 = arith.subf %add3A_20, %sub3A_31 : vector<1000x16xf32>
    %sub3A_33 = vector.broadcast %log3A : vector<1000x1xf32> to vector<1000x16xf32>
    %sub3A_34 = arith.subf %sub3A_32, %sub3A_33 : vector<1000x16xf32>
    %swap3A = arith.constant 0 : index
    %swap3A_35 = arith.constant 0 : index
    %swap3A_36 = vector.load %arg5[%swap3A, %swap3A_35] : memref<1000x16xf32, #tpu.memory_space<vmem>>, vector<1000x16xf32>
    tpu.vector_store %arg5[%swap3A, %swap3A_35], %sub3A_34 {strides = array<i32>} : memref<1000x16xf32, #tpu.memory_space<vmem>>, vector<1000x16xf32>,
    return
  }
  func.func @transform_0(%arg0: i32) -> (i32, i32, i32) {
    %c0_i32 = arith.constant 0 : i32
    %c0_i32_0 = arith.constant 0 : i32
    %c0_i32_1 = arith.constant 0 : i32
    return %c0_i32, %arg0, %c0_i32_0 : i32, i32, i32
  }
  func.func @transform_1(%arg0: i32) -> (i32, i32) {
    %c0_i32 = arith.constant 0 : i32
    %c0_i32_0 = arith.constant 0 : i32
    return %arg0, %c0_i32 : i32, i32
  }
  func.func @transform_2(%arg0: i32) -> (i32, i32) {
    %c0_i32 = arith.constant 0 : i32
    %c0_i32_0 = arith.constant 0 : i32
    return %arg0, %c0_i32 : i32, i32
  }
  func.func @transform_3(%arg0: i32) -> (i32, i32) {
    %c0_i32 = arith.constant 0 : i32
    %c0_i32_0 = arith.constant 0 : i32
    %c0_i32_1 = arith.constant 0 : i32
    return %c0_i32, %c0_i32_0 : i32, i32
  }
  func.func @transform_4(%arg0: i32) -> (i32, i32) {
    %c0_i32 = arith.constant 0 : i32
    %c0_i32_0 = arith.constant 0 : i32
    return %arg0, %c0_i32 : i32, i32
  }
}

</mosaic_0001>

<sc_bundles>
// kernel: kernel.11.cloned.1.call-start
scs
__scs_entry_jumppad:
0x0: {  	(pc) =	sbr.rel $0x88, $3  }
0x1: {  	(tag) =	ssettag $0x0;
	lr =	simm.s32 $0x1  }
0x2: {  	[smem:$0x3F94] =	sst lr;
	_ =	strace $0xD0000000  }
0x3: {  	_ = 	snop  }
0x4: {  	_ = 	snop  }
0x5: {  	_ = 	snop  }
0x6: {  	_ = 	snop  }
0x7: {  	_ = 	snop  }
__scs_overlays_trampoline_lowered:
0x8: {  	[smem:$0x3FA3] =	sst s0  }
0x9: {  	[smem:$0x3FA4] =	sst s1  }
0xa: {  	[smem:$0x3FA5] =	sst s2  }
0xb: {  	[smem:$0x3FA6] =	sst s3  }
0xc: {  	[smem:$0x3FA7] =	sst s4  }
0xd: {  	[smem:$0x3FA8] =	sst s5  }
0xe: {  	[smem:$0x3FA9] =	sst s6  }
0xf: {  	[smem:$0x3FAA] =	sst s7  }
0x10: {  	[smem:$0x3FAB] =	sst s8  }
0x11: {  	[smem:$0x3FAC] =	sst s9;
	s0 =	simm.s32 @!p0 $0x0  }
0x12: {  	s1 =	sld [smem:$0x3F92];
	s0 =	simm.s32 @p0 $0x1  }
0x13: {  	[smem:$0x3FAD] =	sst s0;
	s0 =	simm.s32 @!p1 $0x0  }
0x14: {  	s2 =	sld [smem:$0x3F91];
	s0 =	simm.s32 @p1 $0x1  }
0x15: {  	[smem:$0x3FAE] =	sst s0;
	s0 =	simm.s32 @!p2 $0x0  }
0x16: {  	s3 =	sld [smem:$0x3FDB];
	s0 =	simm.s32 @p2 $0x1  }
0x17: {  	s4 =	simm.s32 $0x1BF5;
	[smem:$0x3FB0] =	sst s0  }
0x18: {  	s0 =	sld [smem:$0x3F93];
	_ =	swait.ge [sflag:s4], $0x0  }
0x19: {  	s7 =	sld [smem:$0x3F94]  }
0x1a: {  	s8 =	sadd.s32 $0xFFFFE003, lr  }
0x1b: {  	s9 =	sadd.s32 $0xFFFFFEF7, lr;
	s5 =	simm.s32 $0xFFFFFFFF;
	p2 =	slt.u32 s8, $0xFFFFF086  }
0x1c: {  	p1 =	slt.u32 s9, $0xF7A;
	s5 =	simm.s32 @!p2 $0x0  }
0x1d: {  	s5 =	simm.s32 @p1 $0x1;
	p0 =	seq.s32 s7, s2  }
0x1e: {  	s7 =	smul.u32 @!p0 $0xF7A, s2;
	p2 =	seq.s32 @!p0 s5, $0x0  }
0x1f: {  	s9 =	smul.u32 $0xF7A, s1;
	s8 =	simm.s32 @!p0 $0x1BF5;
	p2 =	por !p2, p0  }
0x20: {  	[sflag:s8] =	ssyncset.s32 @!p0 $0xFFFFF086;
	s6 =	sadd.s32 @!p0 s3, s7;
	s7 =	simm.s32 @!p0 $0x108  }
0x21: {  	s3 =	sadd.s32 s3, s9;
	s6 =	sadd.s32 @!p0 $0x88, s6;
	s7 =	simm.s32 @p2 $0x1082  }
0x22: {  	[simem:s7], [sflag:s8] =	dma.local @!p0 [hbm:s6], $0xF7A  }
0x23: {  	s9 =	sor.u32 $0xD0000000, s2;
	s6 =	simm.s32 $0x108;
	_ =	swait.ge @!p0 [sflag:s8], $0x0  }
0x24: {  	s3 =	sadd.s32 $0x88, s3;
	s6 =	simm.s32 @!p1 $0x1082;
	[sflag:s4] =	ssyncset.s32 $0xFFFFF086  }
0x25: {  	[simem:s6], [sflag:s4] =	dma.local [hbm:s3], $0xF7A  }
0x26: {  	[smem:$0x3F94] =	sst s1;
	(tag) =	ssettag s2;
	_ =	strace s9  }
0x27: {  	s1 =	sld [smem:$0x3FA4]  }
0x28: {  	s2 =	sld [smem:$0x3FA5]  }
0x29: {  	s4 =	sld [smem:$0x3FA7]  }
0x2a: {  	p0 =	seq.s32 s5, $0x0;
	s5 =	sld [smem:$0x3FA8]  }
0x2b: {  	s6 =	sld [smem:$0x3FA9]  }
0x2c: {  	s7 =	sld [smem:$0x3FAA]  }
0x2d: {  	s3 =	simm.s32 $0x108;
	s8 =	sld [smem:$0x3FAB]  }
0x2e: {  	s3 =	simm.s32 @!p0 $0x1082;
	s9 =	sld [smem:$0x3FAC]  }
0x2f: {  	lr =	sadd.s32 s0, s3;
	s0 =	sld [smem:$0x3FA3]  }
0x30: {  	s3 =	sld [smem:$0x3FA6]  }
0x31: {  	[smem:$0x3FAF] =	sst s10  }
0x32: {  	s10 =	sld [smem:$0x3FAD];
	_ =	sdelay $0x3  }
0x33: {  	p0 =	seq.s32 s10, $0x1;
	s10 =	sld [smem:$0x3FAF];
	_ =	sdelay $0x3  }
0x34: {  	[smem:$0x3FAF] =	sst s10  }
0x35: {  	s10 =	sld [smem:$0x3FAE];
	_ =	sdelay $0x3  }
0x36: {  	p1 =	seq.s32 s10, $0x1;
	s10 =	sld [smem:$0x3FAF];
	_ =	sdelay $0x3  }
0x37: {  	[smem:$0x3FAF] =	sst s10  }
0x38: {  	s10 =	sld [smem:$0x3FB0]  }
0x39: {  	_ = 	snop;
	(pc) =	sbr.ind lr, $3  }
0x3a: {  	_ = 	snop  }
0x3b: {  	_ = 	snop  }
0x3c: {  	p2 =	seq.s32 s10, $0x1;
	s10 =	sld [smem:$0x3FAF]  }
0x3d: {  	_ =	shalt  }
0x3e: {  	_ =	shalt  }
0x3f: {  	_ =	shalt  }
0x40: {  	_ =	shalt  }
0x41: {  	_ =	shalt  }
0x42: {  	_ =	shalt  }
0x43: {  	_ =	shalt  }
0x44: {  	_ =	shalt  }
0x45: {  	_ =	shalt  }
0x46: {  	_ =	shalt  }
0x47: {  	_ =	shalt  }
0x48: {  	_ =	shalt  }
0x49: {  	_ =	shalt  }
0x4a: {  	_ =	shalt  }
0x4b: {  	_ =	shalt  }
0x4c: {  	_ =	shalt  }
0x4d: {  	_ =	shalt  }
0x4e: {  	_ =	shalt  }
0x4f: {  	_ =	shalt  }
0x50: {  	_ =	shalt  }
0x51: {  	_ =	shalt  }
0x52: {  	_ =	shalt  }
0x53: {  	_ =	shalt  }
0x54: {  	_ =	shalt  }
0x55: {  	_ =	shalt  }
0x56: {  	_ =	shalt  }
0x57: {  	_ =	shalt  }
0x58: {  	_ =	shalt  }
0x59: {  	_ =	shalt  }
0x5a: {  	_ =	shalt  }
0x5b: {  	_ =	shalt  }
0x5c: {  	_ =	shalt  }
0x5d: {  	_ =	shalt  }
0x5e: {  	_ =	shalt  }
0x5f: {  	_ =	shalt  }
0x60: {  	_ =	shalt  }
0x61: {  	_ =	shalt  }
0x62: {  	_ =	shalt  }
0x63: {  	_ =	shalt  }
0x64: {  	_ =	shalt  }
0x65: {  	_ =	shalt  }
0x66: {  	_ =	shalt  }
0x67: {  	_ =	shalt  }
0x68: {  	_ =	shalt  }
0x69: {  	_ =	shalt  }
0x6a: {  	_ =	shalt  }
0x6b: {  	_ =	shalt  }
0x6c: {  	_ =	shalt  }
0x6d: {  	_ =	shalt  }
0x6e: {  	_ =	shalt  }
0x6f: {  	_ =	shalt  }
0x70: {  	_ =	shalt  }
0x71: {  	_ =	shalt  }
0x72: {  	_ =	shalt  }
0x73: {  	_ =	shalt  }
0x74: {  	_ =	shalt  }
0x75: {  	_ =	shalt  }
0x76: {  	_ =	shalt  }
0x77: {  	_ =	shalt  }
0x78: {  	_ =	shalt  }
0x79: {  	_ =	shalt  }
0x7a: {  	_ =	shalt  }
0x7b: {  	_ =	shalt  }
0x7c: {  	_ =	shalt  }
0x7d: {  	_ =	shalt  }
0x7e: {  	_ =	shalt  }
0x7f: {  	_ =	shalt  }
0x80: {  	_ =	shalt  }
0x81: {  	_ =	shalt  }
0x82: {  	_ =	shalt  }
0x83: {  	_ =	shalt  }
0x84: {  	_ =	shalt  }
0x85: {  	_ =	shalt  }
0x86: {  	_ =	shalt  }
0x87: {  	_ =	shalt  }
.Lfunc_end0:
.L_simem_size_0:
called_computation.1_lowered:
.L_overlay_start_0:
0x88: {  	s2 =	sld [smem:$0x3FD9]  }
0x89: {  	s3 =	sld [smem:$0x3FFE];
	_ =	sdelay $0x1  }
0x8a: {  	s1 =	srdreg.scid  }
0x8b: {  	s0 =	sand.u32 $0x1, s1  }
0x8c: {  	s16 =	sshll.u32 s0, $0xA;
	s2 =	sadd.s32 s3, s2  }
0x8d: {  	s2 =	sadd.s32 s2, s16  }
0x8e: {  	[smem:$0x3FBB] =	sst s2  }
0x8f: {  	_ = 	snop  }
0x90: {  	(tm) =	ssettm $0x1  }
0x91: {  	s17 =	sld [smem:$0x3FFB];
	_ =	sdelay $0x3  }
0x92: {  	_ =	strace s17  }
0x93: {  	s2 =	sld [smem:$0x3FFC];
	_ =	sdelay $0x3  }
0x94: {  	_ =	strace s2  }
0x95: {  	s2 =	sld [smem:$0x3FFD];
	_ =	sdelay $0x3  }
0x96: {  	_ =	strace s2  }
0x97: {  	_ =	strace $0x8FFFFFFF  }
0x98: {  	s18 =	sld [smem:$0x3FDB];
	_ =	sdelay $0x1  }
0x99: {  	s19 =	simm.s32 $_scs_section_size  }
0x9a: {  	s4 =	simm.s32 $_size__tile_overlayer_lowered;
	s5 =	simm.s32 $_tile_overlayer_lowered  }
0x9b: {  	s22 =	simm.s32 $0x1BFF;
	s21 =	sshll.u32 s5, $0x1;
	s2 =	sadd.s32 s19, s18  }
0x9c: {  	s6 =	simm.s32 $0x0;
	s20 =	sshll.u32 s4, $0x1;
	s4 =	sadd.s32 s21, s2  }
0x9d: {  	[timem:s6], [sflag:s22] =	dma.local [hbm:s4], s20  }
0x9e: {  	_ =	swait.ge [sflag:s22], s20  }
0x9f: {  	s3 =	ssub.s32 $0x0, s20;
	[sflag:s22] =	ssyncset.done $0x0  }
0xa0: {  	[sflag:s22] =	ssyncadd.s32 s3;
	_ =	sdelay $0x1  }
0xa1: {  	s23 =	simm.s32 $0x1B8B  }
0xa2: {  	_ =	swait.ge [sflag:s23], $0x1  }
0xa3: {  	[sflag:s23] =	ssyncset.done $0x0  }
0xa4: {  	s25 =	simm.s32 $0x1B8E;
	s24 =	sld [smem:$0x3FFE];
	[sflag:s23] =	ssyncadd.s32 $0xFFFFFFFF  }
0xa5: {  	s26 =	simm.s32 $execute0_lowered;
	[smem:$0x3FD2] =	sst s25  }
0xa6: {  	s4 =	sshll.u32 s26, $0x1;
	_ =	strace $0x80000049;
	[dreg:$0x1] =	wrdreg $0xFFFFFFFF  }
0xa7: {  	s28 =	simm.s32 $_size_execute0_lowered;
	s2 =	sadd.s32 s2, s4;
	[dreg:$0x0] =	wrdreg $0x0  }
0xa8: {  	s4 =	sshll.u32 s28, $0x1;
	[dreg:$0x2] =	wrdreg s2  }
0xa9: {  	[dreg:$0x3] =	wrdreg s4  }
0xaa: {  	[dreg:$0x4] =	wrdreg $0xC0  }
0xab: {  	_ =	task [dreg:s6], $0x5FFFF  }
0xac: {  	[dreg:$0x1] =	wrdreg $0xFFFFFFFF  }
0xad: {  	[dreg:$0x0] =	wrdreg $0x60  }
0xae: {  	[dreg:$0x2] =	wrdreg s24  }
0xaf: {  	[dreg:$0x3] =	wrdreg $0x77000  }
0xb0: {  	[dreg:$0x4] =	wrdreg $0x9  }
0xb1: {  	_ =	task.clear_ibuf [dreg:s6], $0x5FFFF;
	_ =	strace $0x90000049  }
0xb2: {  	s29 =	simm.s32 $0x9;
	_ =	strace $0x8000004B  }
0xb3: {  	_ =	swait.ge [sflag:s29], $0x1  }
0xb4: {  	[sflag:s29] =	ssyncadd.s32 $0xFFFFFFFF  }
0xb5: {  	_ =	strace $0x9000004B  }
0xb6: {  	_ =	sfence  }
0xb7: {  	s30 =	sld [smem:$0x0];
	_ =	sdelay $0x2  }
0xb8: {  	s31 =	sshll.u32 s1, $0xD;
	s1 =	sshrl.u32 s1, $0x2  }
0xb9: {  	s3 =	sand.u32 $0x4000, s31;
	s1 =	sadd.s32 s1, s30  }
0xba: {  	s0 =	sor.u32 s3, s0;
	s1 =	sshll.u32 s1, $0x11  }
0xbb: {  	s0 =	sor.u32 s1, s0  }
0xbc: {  	s0 =	sadd.s32 $0x8F2B, s0  }
0xbd: {  	[sflag:s0] =	ssyncadd.remote.s32 $0x1  }
0xbe: {  	_ =	sfence.sel $0xFFFF  }
0xbf: {  	[dreg:$0x0] =	wrdreg $0xFFFFFFFF;
	(pc) =	sbr.abs _section_cstart, $3  }
0xc0: {  	[dreg:$0x1] =	wrdreg $0xFFFFFFFF  }
0xc1: {  	_ =	task.clear_ibuf [dreg:s6], $0x2FFFF;
	_ =	strace $0x9FFFFFFF  }
0xc2: {  	(tm) =	ssettm $0x7FFFFFFF  }
0xc3: {  	_ =	shalt  }
tec
execute0_lowered:
.L_overlay_start_1:
0x0: {  	(tag) =	ssettag $0x1  }
0x1: {  	s0 =	srdreg.scid;
	s1 =	rddreg [dreg:$0x0]  }
0x2: {  	s2 =	rddreg [dreg:$0x1];
	s6 =	stileid.u32  }
0x3: {  	s3 =	simm.s32 $0x0;
	s21 =	simm.s32 $0x2;
	s23 =	simm.s32 $0x80  }
0x4: {  	s24 =	simm.s32 $0x5700;
	s25 =	simm.s32 $0x1;
	s26 =	simm.s32 $0x4F00  }
0x5: {  	s28 =	simm.s32 $0x0;
	s0 =	sand.u32 $0x1, s0;
	[smem:$0x7FF] =	sst s3  }
0x6: {  	s12 =	smul.u32 $0x2710, s6;
	s4 =	sshll.u32 s0, $0x4;
	_ =	strace $0x8000004A  }
0x7: {  	s30 =	ssub.s32 $0x2, s0;
	s0 =	smul.u32 $0x27100, s0;
	s13 =	sor.u32 s6, s4  }
0x8: {  	s4 =	sadd.s32 $0xB2C00, s1;
	s7 =	sshrl.u32 s30, $0x1;
	s15 =	sadd.s32 $0x7D0, s12  }
0x9: {  	s6 =	sadd.s32 s12, s2;
	s16 =	sadd.s32 $0xFA0, s12;
	s17 =	sadd.s32 $0x1770, s12  }
0xa: {  	s18 =	sadd.s32 $0x1F40, s12;
	s5 =	smul.u32 $0x4F0, s13;
	s19 =	ssub.s32 s30, s7  }
0xb: {  	s7 =	sadd.s32 s15, s2;
	s8 =	sadd.s32 s16, s2;
	s9 =	sadd.s32 s17, s2  }
0xc: {  	s10 =	sadd.s32 s18, s2;
	s20 =	sadd.s32 s12, s0;
	s15 =	sadd.s32 s0, s15  }
0xd: {  	s13 =	smul.u32 $0x27800, s13;
	s16 =	sadd.s32 s0, s16;
	s17 =	sadd.s32 s0, s17  }
0xe: {  	s0 =	sadd.s32 s0, s18;
	s31 =	sshrl.u32 s20, $0x3;
	s15 =	sshrl.u32 s15, $0x3  }
0xf: {  	s16 =	sshrl.u32 s16, $0x3;
	s17 =	sshrl.u32 s17, $0x3;
	s0 =	sshrl.u32 s0, $0x3  }
0x10: {  	s19 =	smax.u32 s19, $0x1;
	s20 =	simm.s32 $0x6F00;
	s14 =	sadd.s32 s5, s1  }
0x11: {  	s5 =	sadd.s32 $0x1000, s1;
	s1 =	sadd.s32 $0xC1800, s1;
	s11 =	sadd.s32 $0xA8E00, s14  }
0x12: {  	v0 =	vimm.f32 $0.0e+00;
	s12 =	sadd.s32 $0x9F000, s14;
	s14 =	sadd.s32 s1, s31;
	s15 =	sadd.s32 s1, s15  }
0x13: {  	v1 =	vimm.s32 $0x4;
	v2 =	vimm.s32 $0x5;
	v3 =	vimm.s32 $0x6;
	s16 =	sadd.s32 s1, s16;
	s17 =	sadd.s32 s1, s17;
	s18 =	sadd.s32 s1, s0  }
.LBB2_1:
0x14: {  	s0 =	simm.s32 $0x40;
	s1 =	simm.s32 $0x0  }
.LBB2_2:
0x15: {  	p0 =	sne.s32 s0, $0x1F00;
	[tilespmem:s1+$0x6F00] =	vst v0;
	s1 =	smov.u32 s0;
	s0 =	sadd.s32 $0x40, s0  }
.Ltmp0:
0x16: {  	(pc) =	sbr.rel @p0 .LBB2_2-.Ltmp0, $2  }
0x17: {  	_ =	sdelay $0x2  }
0x18: {  	s1 =	sshra.s32 s1, $0x2  }
0x19: {  	[tilespmem:s1+$0x6F00] =	vst v0  }
0x1a: {  	[spmem:s6] =	stream.linear.scatter [tilespmem:s20], [sflag:$0x2], $0x7D0, $0x38;
	[tilespmem:$0x9E10] =	vst v63  }
0x1b: {  	_ =	swait.ge [sflag:s21], $0x7D0  }
0x1c: {  	[sflag:s21] =	ssyncset.done $0x0  }
0x1d: {  	[sflag:s21] =	ssyncadd.s32 $0xFFFFF830  }
0x1e: {  	[spmem:s7] =	stream.linear.scatter [tilespmem:s20], [sflag:$0x2], $0x7D0, $0x38;
	[tilespmem:$0x9E10] =	vst v63  }
0x1f: {  	_ =	swait.ge [sflag:s21], $0x7D0  }
0x20: {  	[sflag:s21] =	ssyncset.done $0x0  }
0x21: {  	[sflag:s21] =	ssyncadd.s32 $0xFFFFF830  }
0x22: {  	[spmem:s8] =	stream.linear.scatter [tilespmem:s20], [sflag:$0x2], $0x7D0, $0x38;
	[tilespmem:$0x9E10] =	vst v63  }
0x23: {  	_ =	swait.ge [sflag:s21], $0x7D0  }
0x24: {  	[sflag:s21] =	ssyncset.done $0x0  }
0x25: {  	[sflag:s21] =	ssyncadd.s32 $0xFFFFF830  }
0x26: {  	[spmem:s9] =	stream.linear.scatter [tilespmem:s20], [sflag:$0x2], $0x7D0, $0x38;
	[tilespmem:$0x9E10] =	vst v63  }
0x27: {  	_ =	swait.ge [sflag:s21], $0x7D0  }
0x28: {  	[sflag:s21] =	ssyncset.done $0x0  }
0x29: {  	[sflag:s21] =	ssyncadd.s32 $0xFFFFF830  }
0x2a: {  	[spmem:s10] =	stream.linear.scatter [tilespmem:s20], [sflag:$0x2], $0x7D0, $0x38;
	[tilespmem:$0x9E10] =	vst v63  }
0x2b: {  	_ =	swait.ge [sflag:s21], $0x7D0  }
0x2c: {  	[sflag:s21] =	ssyncset.done $0x0  }
0x2d: {  	[sflag:s21] =	ssyncadd.s32 $0xFFFFF830  }
0x2e: {  	[bflag:$0x0] =	sbarrier.arrive $0xFFFF  }
0x2f: {  	[tilespmem:s28], [sflag:$0x2] =	stream.linear.gather [hbm4b:s11+s28], $0x2780, $0x38;
	[tilespmem:$0x9E10] =	vst v63  }
0x30: {  	_ =	swait.ge [sflag:s21], $0x2780  }
0x31: {  	[sflag:s21] =	ssyncset.done $0x0  }
0x32: {  	s0 =	simm.s32 $0x2780;
	[sflag:s21] =	ssyncadd.s32 $0xFFFFD880  }
0x33: {  	[tilespmem:s0], [sflag:$0x2] =	stream.linear.gather [hbm4b:s12+s28], $0x2780, $0x38;
	[tilespmem:$0x9E10] =	vst v63  }
0x34: {  	_ =	swait.ge [sflag:s21], $0x2780  }
0x35: {  	[sflag:s21] =	ssyncset.done $0x0  }
0x36: {  	s29 =	simm.s32 $0x0;
	[sflag:s21] =	ssyncadd.s32 $0xFFFFD880  }
.LBB2_4:
0x37: {  	s30 =	sshll.u32 s29, $0x7;
	s0 =	sshll.u32 s29, $0xB  }
0x38: {  	[tilespmem:s24], [sflag:$0x1] =	stream.indirect.gather [hbm4b:s4+s23], $0x30, s30, s23, $0xb8;
	[tilespmem:$0x9E10] =	vst v63  }
0x39: {  	s0 =	sadd.s32 s13, s0;
	_ =	swait.ge [sflag:s25], $0x1800  }
0x3a: {  	s0 =	sshrl.u32 s0, $0x3;
	[sflag:s25] =	ssyncset.done $0x0  }
0x3b: {  	s0 =	sadd.s32 s5, s0;
	[sflag:s25] =	ssyncadd.s32 $0xFFFFE800  }
0x3c: {  	[tilespmem:s26], [sflag:$0x2] =	stream.linear.gather [hbm4b:s0+s28], $0x800, $0x38;
	[tilespmem:$0x9E10] =	vst v63  }
0x3d: {  	_ =	swait.ge [sflag:s21], $0x800  }
0x3e: {  	[sflag:s21] =	ssyncset.done $0x0  }
0x3f: {  	s0 =	simm.s32 $0x0;
	[sflag:s21] =	ssyncadd.s32 $0xFFFFF800  }
0x40: {  	s31 =	simm.s32 $0x5720;
	v4 =	vld [tilespmem:s0+$0x4F00]  }
0x41: {  	v5 =	vld [tilespmem:s31+$0xFFFFFFE0]  }
0x42: {  	v6 =	vld [tilespmem:s31+$0xFFFFFFF0];
	_ =	sdelay $0x1  }
0x43: {  	v7 =	vld [tilespmem:s31+$0x0]  }
0x44: {  	v8 =	vperm.xlane v4, v1;
	v9 =	vperm.xlane v4, v2  }
0x45: {  	v4 =	vperm.xlane v4, v3  }
0x46: {  	v5 =	vmul.f32 v5, v8;
	v6 =	vmul.f32 v6, v9;
	_ =	sdelay $0x1  }
0x47: {  	v4 =	vmul.f32 v7, v4;
	v5 =	vadd.f32 v6, v5;
	_ =	sdelay $0x1  }
0x48: {  	v4 =	vadd.f32 v4, v5  }
0x49: {  	s22 =	simm.s32 $0x10;
	s1 =	simm.s32 $0x80  }
.LBB2_5:
0x4a: {  	p0 =	sne.s32 s1, $0x1FC0;
	v5 =	vld [tilespmem:s22+$0x4F00];
	[tilespmem:s0+$0x6F00] =	vst v4;
	s31 =	sadd.s32 $0x30, s31;
	s0 =	smov.u32 s22  }
0x4b: {  	v4 =	vld [tilespmem:s31+$0xFFFFFFE0]  }
0x4c: {  	v6 =	vld [tilespmem:s31+$0xFFFFFFF0];
	_ =	sdelay $0x1  }
0x4d: {  	v7 =	vld [tilespmem:s31+$0x0]  }
0x4e: {  	v8 =	vperm.xlane v5, v1;
	v9 =	vperm.xlane v5, v2  }
0x4f: {  	v5 =	vperm.xlane v5, v3  }
0x50: {  	v4 =	vmul.f32 v4, v8;
	v6 =	vmul.f32 v6, v9  }
.Ltmp1:
0x51: {  	(pc) =	sbr.rel @p0 .LBB2_5-.Ltmp1, $3  }
0x52: {  	v4 =	vadd.f32 v6, v4;
	v5 =	vmul.f32 v7, v5;
	_ =	sdelay $0x1  }
0x53: {  	v4 =	vadd.f32 v5, v4  }
0x54: {  	s22 =	sshra.s32 s1, $0x2;
	s1 =	sadd.s32 $0x40, s1  }
0x55: {  	v5 =	vld [tilespmem:s22+$0x4F00];
	[tilespmem:s0+$0x6F00] =	vst v4;
	s1 =	sadd.s32 $0x30, s31  }
0x56: {  	v4 =	vld [tilespmem:s1+$0xFFFFFFE0]  }
0x57: {  	v6 =	vld [tilespmem:s1+$0xFFFFFFF0];
	_ =	sdelay $0x1  }
0x58: {  	v7 =	vld [tilespmem:s1+$0x0]  }
0x59: {  	v8 =	vperm.xlane v5, v1;
	v9 =	vperm.xlane v5, v2  }
0x5a: {  	v5 =	vperm.xlane v5, v3  }
0x5b: {  	v4 =	vmul.f32 v4, v8;
	v6 =	vmul.f32 v6, v9;
	_ =	sdelay $0x1  }
0x5c: {  	v5 =	vmul.f32 v7, v5;
	v4 =	vadd.f32 v6, v4;
	_ =	sdelay $0x1  }
0x5d: {  	s29 =	sadd.s32 $0x1, s29;
	v4 =	vadd.f32 v5, v4  }
0x5e: {  	p0 =	sne.s32 s29, $0x4F  }
.Ltmp2:
0x5f: {  	s31 =	sadd.s32 $0x2780, s30;
	[tilespmem:s22+$0x6F00] =	vst v4;
	(pc) =	sbr.rel @p0 .LBB2_4-.Ltmp2, $4  }
0x60: {  	[spmem:s2] =	stream.indirect.scatter.add.f32 [tilespmem:s20], [sflag:$0x2], $0x10, s31, s23, $0xb8;
	[tilespmem:$0x9E10] =	vst v63  }
0x61: {  	_ =	swait.ge [sflag:s21], $0x800  }
0x62: {  	[sflag:s21] =	ssyncset.done $0x0  }
0x63: {  	[sflag:s21] =	ssyncadd.s32 $0xFFFFF800  }
0x64: {  	s0 =	stileid.u32  }
0x65: {  	s0 =	sshll.u32 s0, $0x6  }
0x66: {  	[bflag:$0x0] =	sbarrier.arrive $0xFFFF;
	s1 =	sshrl.u32 s6, $0x3;
	s0 =	sor.u32 $0x1C02, s0  }
0x67: {  	[hbm:s14], [sflag:s0] =	dma.local [spmem:s1], $0xFA  }
0x68: {  	_ =	swait.ge [sflag:s21], $0xFA  }
0x69: {  	[sflag:s21] =	ssyncset.done $0x0  }
0x6a: {  	s22 =	sshrl.u32 s7, $0x3;
	[sflag:s21] =	ssyncadd.s32 $0xFFFFFF06  }
0x6b: {  	[hbm:s15], [sflag:s0] =	dma.local [spmem:s22], $0xFA  }
0x6c: {  	_ =	swait.ge [sflag:s21], $0xFA  }
0x6d: {  	[sflag:s21] =	ssyncset.done $0x0  }
0x6e: {  	s29 =	sshrl.u32 s8, $0x3;
	[sflag:s21] =	ssyncadd.s32 $0xFFFFFF06  }
0x6f: {  	[hbm:s16], [sflag:s0] =	dma.local [spmem:s29], $0xFA  }
0x70: {  	_ =	swait.ge [sflag:s21], $0xFA  }
0x71: {  	[sflag:s21] =	ssyncset.done $0x0  }
0x72: {  	s30 =	sshrl.u32 s9, $0x3;
	[sflag:s21] =	ssyncadd.s32 $0xFFFFFF06  }
0x73: {  	[hbm:s17], [sflag:s0] =	dma.local [spmem:s30], $0xFA  }
0x74: {  	s3 =	sadd.s32 $0x1, s3;
	_ =	swait.ge [sflag:s21], $0xFA  }
0x75: {  	p0 =	sne.s32 s3, s19;
	[sflag:s21] =	ssyncset.done $0x0  }
.Ltmp3:
0x76: {  	s31 =	sshrl.u32 s10, $0x3;
	[sflag:s21] =	ssyncadd.s32 $0xFFFFFF06;
	(pc) =	sbr.rel @p0 .LBB2_1-.Ltmp3, $4  }
0x77: {  	[hbm:s18], [sflag:s0] =	dma.local [spmem:s31], $0xFA  }
0x78: {  	_ =	swait.ge [sflag:s21], $0xFA  }
0x79: {  	[sflag:s21] =	ssyncset.done $0x0  }
0x7a: {  	[sflag:s21] =	ssyncadd.s32 $0xFFFFFF06  }
0x7b: {  	_ =	sfence.sel $0x180000  }
0x7c: {  	[bflag:$0x0] =	sbarrier.arrive $0xFFFF  }
0x7d: {  	_ =	strace $0x9000004A  }
0x7e: {  	s0 =	stileid.u32;
	[bflag:$0x2] =	sbarrier.arrive $0xFFFF  }
0x7f: {  	p0 =	sne.s32 s0, $0x0;
	s0 =	rddreg [dreg:$0x2]  }
0x80: {  	s0 =	sadd.s32 @!p0 $0x100000, s0  }
0x81: {  	[sflag:s0] =	ssyncadd.tile.s32 @!p0 $0x1;
	_ =	shalt  }
.Lfunc_end2:
_tile_overlayer_lowered:
.L_overlay_start_2:
0x82: {  	(tag) =	ssettag $0x2  }
0x83: {  	s0 =	rddreg [dreg:$0x0];
	s2 =	stileid.u32  }
0x84: {  	s1 =	rddreg [dreg:$0x1];
	p0 =	sne.s32 s2, $0x0  }
0x85: {  	s3 =	rddreg [dreg:$0x2];
	[bflag:$0x3] =	sbarrier.arrive $0xFFFF;
	s2 =	simm.s32 @!p0 $0x1C02  }
0x86: {  	[timem:s3], [sflag:s2] =	dma.local @!p0 [hbm:s0], s1  }
0x87: {  	s0 =	simm.s32 @!p0 $0x2  }
0x88: {  	_ =	swait.ge @!p0 [sflag:s0], s1  }
0x89: {  	s1 =	ssub.s32 @!p0 $0x0, s1;
	[sflag:s0] =	ssyncset.done @!p0 $0x0  }
0x8a: {  	[sflag:s0] =	ssyncadd.s32 @!p0 s1  }
0x8b: {  	[bflag:$0x3] =	sbarrier.arrive $0xFFFF  }
0x8c: {  	_ =	shalt  }

// kernel: kernel.8.cloned.1.call-start
scs
__scs_entry_jumppad:
0x0: {  	(pc) =	sbr.rel $0x88, $3  }
0x1: {  	(tag) =	ssettag $0x0;
	lr =	simm.s32 $0x1  }
0x2: {  	[smem:$0x3F94] =	sst lr;
	_ =	strace $0xD0000000  }
0x3: {  	_ = 	snop  }
0x4: {  	_ = 	snop  }
0x5: {  	_ = 	snop  }
0x6: {  	_ = 	snop  }
0x7: {  	_ = 	snop  }
__scs_overlays_trampoline_lowered:
0x8: {  	[smem:$0x3FA3] =	sst s0  }
0x9: {  	[smem:$0x3FA4] =	sst s1  }
0xa: {  	[smem:$0x3FA5] =	sst s2  }
0xb: {  	[smem:$0x3FA6] =	sst s3  }
0xc: {  	[smem:$0x3FA7] =	sst s4  }
0xd: {  	[smem:$0x3FA8] =	sst s5  }
0xe: {  	[smem:$0x3FA9] =	sst s6  }
0xf: {  	[smem:$0x3FAA] =	sst s7  }
0x10: {  	[smem:$0x3FAB] =	sst s8  }
0x11: {  	[smem:$0x3FAC] =	sst s9;
	s0 =	simm.s32 @!p0 $0x0  }
0x12: {  	s1 =	sld [smem:$0x3F92];
	s0 =	simm.s32 @p0 $0x1  }
0x13: {  	[smem:$0x3FAD] =	sst s0;
	s0 =	simm.s32 @!p1 $0x0  }
0x14: {  	s2 =	sld [smem:$0x3F91];
	s0 =	simm.s32 @p1 $0x1  }
0x15: {  	[smem:$0x3FAE] =	sst s0;
	s0 =	simm.s32 @!p2 $0x0  }
0x16: {  	s3 =	sld [smem:$0x3FDB];
	s0 =	simm.s32 @p2 $0x1  }
0x17: {  	s4 =	simm.s32 $0x1BF5;
	[smem:$0x3FB0] =	sst s0  }
0x18: {  	s0 =	sld [smem:$0x3F93];
	_ =	swait.ge [sflag:s4], $0x0  }
0x19: {  	s7 =	sld [smem:$0x3F94]  }
0x1a: {  	s8 =	sadd.s32 $0xFFFFE003, lr  }
0x1b: {  	s9 =	sadd.s32 $0xFFFFFEF7, lr;
	s5 =	simm.s32 $0xFFFFFFFF;
	p2 =	slt.u32 s8, $0xFFFFF086  }
0x1c: {  	p1 =	slt.u32 s9, $0xF7A;
	s5 =	simm.s32 @!p2 $0x0  }
0x1d: {  	s5 =	simm.s32 @p1 $0x1;
	p0 =	seq.s32 s7, s2  }
0x1e: {  	s7 =	smul.u32 @!p0 $0xF7A, s2;
	p2 =	seq.s32 @!p0 s5, $0x0  }
0x1f: {  	s9 =	smul.u32 $0xF7A, s1;
	s8 =	simm.s32 @!p0 $0x1BF5;
	p2 =	por !p2, p0  }
0x20: {  	[sflag:s8] =	ssyncset.s32 @!p0 $0xFFFFF086;
	s6 =	sadd.s32 @!p0 s3, s7;
	s7 =	simm.s32 @!p0 $0x108  }
0x21: {  	s3 =	sadd.s32 s3, s9;
	s6 =	sadd.s32 @!p0 $0x88, s6;
	s7 =	simm.s32 @p2 $0x1082  }
0x22: {  	[simem:s7], [sflag:s8] =	dma.local @!p0 [hbm:s6], $0xF7A  }
0x23: {  	s9 =	sor.u32 $0xD0000000, s2;
	s6 =	simm.s32 $0x108;
	_ =	swait.ge @!p0 [sflag:s8], $0x0  }
0x24: {  	s3 =	sadd.s32 $0x88, s3;
	s6 =	simm.s32 @!p1 $0x1082;
	[sflag:s4] =	ssyncset.s32 $0xFFFFF086  }
0x25: {  	[simem:s6], [sflag:s4] =	dma.local [hbm:s3], $0xF7A  }
0x26: {  	[smem:$0x3F94] =	sst s1;
	(tag) =	ssettag s2;
	_ =	strace s9  }
0x27: {  	s1 =	sld [smem:$0x3FA4]  }
0x28: {  	s2 =	sld [smem:$0x3FA5]  }
0x29: {  	s4 =	sld [smem:$0x3FA7]  }
0x2a: {  	p0 =	seq.s32 s5, $0x0;
	s5 =	sld [smem:$0x3FA8]  }
0x2b: {  	s6 =	sld [smem:$0x3FA9]  }
0x2c: {  	s7 =	sld [smem:$0x3FAA]  }
0x2d: {  	s3 =	simm.s32 $0x108;
	s8 =	sld [smem:$0x3FAB]  }
0x2e: {  	s3 =	simm.s32 @!p0 $0x1082;
	s9 =	sld [smem:$0x3FAC]  }
0x2f: {  	lr =	sadd.s32 s0, s3;
	s0 =	sld [smem:$0x3FA3]  }
0x30: {  	s3 =	sld [smem:$0x3FA6]  }
0x31: {  	[smem:$0x3FAF] =	sst s10  }
0x32: {  	s10 =	sld [smem:$0x3FAD];
	_ =	sdelay $0x3  }
0x33: {  	p0 =	seq.s32 s10, $0x1;
	s10 =	sld [smem:$0x3FAF];
	_ =	sdelay $0x3  }
0x34: {  	[smem:$0x3FAF] =	sst s10  }
0x35: {  	s10 =	sld [smem:$0x3FAE];
	_ =	sdelay $0x3  }
0x36: {  	p1 =	seq.s32 s10, $0x1;
	s10 =	sld [smem:$0x3FAF];
	_ =	sdelay $0x3  }
0x37: {  	[smem:$0x3FAF] =	sst s10  }
0x38: {  	s10 =	sld [smem:$0x3FB0]  }
0x39: {  	_ = 	snop;
	(pc) =	sbr.ind lr, $3  }
0x3a: {  	_ = 	snop  }
0x3b: {  	_ = 	snop  }
0x3c: {  	p2 =	seq.s32 s10, $0x1;
	s10 =	sld [smem:$0x3FAF]  }
0x3d: {  	_ =	shalt  }
0x3e: {  	_ =	shalt  }
0x3f: {  	_ =	shalt  }
0x40: {  	_ =	shalt  }
0x41: {  	_ =	shalt  }
0x42: {  	_ =	shalt  }
0x43: {  	_ =	shalt  }
0x44: {  	_ =	shalt  }
0x45: {  	_ =	shalt  }
0x46: {  	_ =	shalt  }
0x47: {  	_ =	shalt  }
0x48: {  	_ =	shalt  }
0x49: {  	_ =	shalt  }
0x4a: {  	_ =	shalt  }
0x4b: {  	_ =	shalt  }
0x4c: {  	_ =	shalt  }
0x4d: {  	_ =	shalt  }
0x4e: {  	_ =	shalt  }
0x4f: {  	_ =	shalt  }
0x50: {  	_ =	shalt  }
0x51: {  	_ =	shalt  }
0x52: {  	_ =	shalt  }
0x53: {  	_ =	shalt  }
0x54: {  	_ =	shalt  }
0x55: {  	_ =	shalt  }
0x56: {  	_ =	shalt  }
0x57: {  	_ =	shalt  }
0x58: {  	_ =	shalt  }
0x59: {  	_ =	shalt  }
0x5a: {  	_ =	shalt  }
0x5b: {  	_ =	shalt  }
0x5c: {  	_ =	shalt  }
0x5d: {  	_ =	shalt  }
0x5e: {  	_ =	shalt  }
0x5f: {  	_ =	shalt  }
0x60: {  	_ =	shalt  }
0x61: {  	_ =	shalt  }
0x62: {  	_ =	shalt  }
0x63: {  	_ =	shalt  }
0x64: {  	_ =	shalt  }
0x65: {  	_ =	shalt  }
0x66: {  	_ =	shalt  }
0x67: {  	_ =	shalt  }
0x68: {  	_ =	shalt  }
0x69: {  	_ =	shalt  }
0x6a: {  	_ =	shalt  }
0x6b: {  	_ =	shalt  }
0x6c: {  	_ =	shalt  }
0x6d: {  	_ =	shalt  }
0x6e: {  	_ =	shalt  }
0x6f: {  	_ =	shalt  }
0x70: {  	_ =	shalt  }
0x71: {  	_ =	shalt  }
0x72: {  	_ =	shalt  }
0x73: {  	_ =	shalt  }
0x74: {  	_ =	shalt  }
0x75: {  	_ =	shalt  }
0x76: {  	_ =	shalt  }
0x77: {  	_ =	shalt  }
0x78: {  	_ =	shalt  }
0x79: {  	_ =	shalt  }
0x7a: {  	_ =	shalt  }
0x7b: {  	_ =	shalt  }
0x7c: {  	_ =	shalt  }
0x7d: {  	_ =	shalt  }
0x7e: {  	_ =	shalt  }
0x7f: {  	_ =	shalt  }
0x80: {  	_ =	shalt  }
0x81: {  	_ =	shalt  }
0x82: {  	_ =	shalt  }
0x83: {  	_ =	shalt  }
0x84: {  	_ =	shalt  }
0x85: {  	_ =	shalt  }
0x86: {  	_ =	shalt  }
0x87: {  	_ =	shalt  }
.Lfunc_end0:
.L_simem_size_0:
called_computation_lowered:
.L_overlay_start_0:
0x88: {  	s2 =	sld [smem:$0x3FD9]  }
0x89: {  	s3 =	sld [smem:$0x3FFE];
	_ =	sdelay $0x1  }
0x8a: {  	s1 =	srdreg.scid  }
0x8b: {  	s0 =	sand.u32 $0x1, s1  }
0x8c: {  	s16 =	sshll.u32 s0, $0xA;
	s2 =	sadd.s32 s3, s2  }
0x8d: {  	s2 =	sadd.s32 s2, s16  }
0x8e: {  	[smem:$0x3FBB] =	sst s2  }
0x8f: {  	_ = 	snop  }
0x90: {  	(tm) =	ssettm $0x1  }
0x91: {  	s17 =	sld [smem:$0x3FFB];
	_ =	sdelay $0x3  }
0x92: {  	_ =	strace s17  }
0x93: {  	s2 =	sld [smem:$0x3FFC];
	_ =	sdelay $0x3  }
0x94: {  	_ =	strace s2  }
0x95: {  	s2 =	sld [smem:$0x3FFD];
	_ =	sdelay $0x3  }
0x96: {  	_ =	strace s2  }
0x97: {  	_ =	strace $0x8FFFFFFF  }
0x98: {  	s18 =	sld [smem:$0x3FDB];
	_ =	sdelay $0x1  }
0x99: {  	s19 =	simm.s32 $_scs_section_size  }
0x9a: {  	s4 =	simm.s32 $_size__tile_overlayer_lowered;
	s5 =	simm.s32 $_tile_overlayer_lowered  }
0x9b: {  	s22 =	simm.s32 $0x1BFF;
	s21 =	sshll.u32 s5, $0x1;
	s2 =	sadd.s32 s19, s18  }
0x9c: {  	s6 =	simm.s32 $0x0;
	s20 =	sshll.u32 s4, $0x1;
	s4 =	sadd.s32 s21, s2  }
0x9d: {  	[timem:s6], [sflag:s22] =	dma.local [hbm:s4], s20  }
0x9e: {  	_ =	swait.ge [sflag:s22], s20  }
0x9f: {  	s3 =	ssub.s32 $0x0, s20;
	[sflag:s22] =	ssyncset.done $0x0  }
0xa0: {  	[sflag:s22] =	ssyncadd.s32 s3;
	_ =	sdelay $0x1  }
0xa1: {  	s23 =	simm.s32 $0x1B8B  }
0xa2: {  	_ =	swait.ge [sflag:s23], $0x1  }
0xa3: {  	[sflag:s23] =	ssyncset.done $0x0  }
0xa4: {  	s25 =	simm.s32 $0x1B8E;
	s24 =	sld [smem:$0x3FFE];
	[sflag:s23] =	ssyncadd.s32 $0xFFFFFFFF  }
0xa5: {  	s26 =	simm.s32 $execute0_lowered;
	[smem:$0x3FD2] =	sst s25  }
0xa6: {  	s4 =	sshll.u32 s26, $0x1;
	_ =	strace $0x80000046;
	[dreg:$0x1] =	wrdreg $0xFFFFFFFF  }
0xa7: {  	s28 =	simm.s32 $_size_execute0_lowered;
	s2 =	sadd.s32 s2, s4;
	[dreg:$0x0] =	wrdreg $0x0  }
0xa8: {  	s4 =	sshll.u32 s28, $0x1;
	[dreg:$0x2] =	wrdreg s2  }
0xa9: {  	[dreg:$0x3] =	wrdreg s4  }
0xaa: {  	[dreg:$0x4] =	wrdreg $0xC0  }
0xab: {  	_ =	task [dreg:s6], $0x5FFFF  }
0xac: {  	[dreg:$0x1] =	wrdreg $0xFFFFFFFF  }
0xad: {  	[dreg:$0x0] =	wrdreg $0x60  }
0xae: {  	[dreg:$0x2] =	wrdreg s24  }
0xaf: {  	[dreg:$0x3] =	wrdreg $0xDF000  }
0xb0: {  	[dreg:$0x4] =	wrdreg $0x9  }
0xb1: {  	_ =	task.clear_ibuf [dreg:s6], $0x5FFFF;
	_ =	strace $0x90000046  }
0xb2: {  	s29 =	simm.s32 $0x9;
	_ =	strace $0x80000048  }
0xb3: {  	_ =	swait.ge [sflag:s29], $0x1  }
0xb4: {  	[sflag:s29] =	ssyncadd.s32 $0xFFFFFFFF  }
0xb5: {  	_ =	strace $0x90000048  }
0xb6: {  	_ =	sfence  }
0xb7: {  	s30 =	sld [smem:$0x0];
	_ =	sdelay $0x2  }
0xb8: {  	s31 =	sshll.u32 s1, $0xD;
	s1 =	sshrl.u32 s1, $0x2  }
0xb9: {  	s3 =	sand.u32 $0x4000, s31;
	s1 =	sadd.s32 s1, s30  }
0xba: {  	s0 =	sor.u32 s3, s0;
	s1 =	sshll.u32 s1, $0x11  }
0xbb: {  	s0 =	sor.u32 s1, s0  }
0xbc: {  	s0 =	sadd.s32 $0x8F2B, s0  }
0xbd: {  	[sflag:s0] =	ssyncadd.remote.s32 $0x1  }
0xbe: {  	_ =	sfence.sel $0xFFFF  }
0xbf: {  	[dreg:$0x0] =	wrdreg $0xFFFFFFFF;
	(pc) =	sbr.abs _section_cstart, $3  }
0xc0: {  	[dreg:$0x1] =	wrdreg $0xFFFFFFFF  }
0xc1: {  	_ =	task.clear_ibuf [dreg:s6], $0x2FFFF;
	_ =	strace $0x9FFFFFFF  }
0xc2: {  	(tm) =	ssettm $0x7FFFFFFF  }
0xc3: {  	_ =	shalt  }
tec
execute0_lowered:
.L_overlay_start_1:
0x0: {  	(tag) =	ssettag $0x1  }
0x1: {  	s1 =	rddreg [dreg:$0x0]  }
0x2: {  	s0 =	srdreg.scid;
	s2 =	rddreg [dreg:$0x1]  }
0x3: {  	s6 =	stileid.u32;
	s3 =	simm.s32 $0x0;
	s20 =	simm.s32 $0xB700  }
0x4: {  	s21 =	simm.s32 $0x2;
	s23 =	simm.s32 $0x80;
	s24 =	simm.s32 $0x5700  }
0x5: {  	s28 =	simm.s32 $0x0;
	s0 =	sand.u32 $0x1, s0;
	[smem:$0x7FF] =	sst s3  }
0x6: {  	s12 =	smul.u32 $0xC350, s6;
	s4 =	sshll.u32 s0, $0x4;
	_ =	strace $0x80000047  }
0x7: {  	s25 =	ssub.s32 $0x2, s0;
	s0 =	smul.u32 $0xC3500, s0;
	s11 =	sor.u32 s6, s4  }
0x8: {  	s4 =	sadd.s32 $0xB2C00, s1;
	s7 =	sshrl.u32 s25, $0x1;
	s14 =	sadd.s32 $0x2710, s12  }
0x9: {  	s6 =	sadd.s32 s12, s2;
	s16 =	sadd.s32 $0x4E20, s12;
	s17 =	sadd.s32 $0x7530, s12  }
0xa: {  	s18 =	sadd.s32 $0x9C40, s12;
	s5 =	smul.u32 $0x4F0, s11;
	s19 =	ssub.s32 s25, s7  }
0xb: {  	s7 =	sadd.s32 s14, s2;
	s8 =	sadd.s32 s16, s2;
	s9 =	sadd.s32 s17, s2  }
0xc: {  	s10 =	sadd.s32 s18, s2;
	s12 =	sadd.s32 s12, s0;
	s26 =	sadd.s32 s0, s14  }
0xd: {  	s30 =	sadd.s32 s0, s16;
	s31 =	sadd.s32 s0, s17;
	s0 =	sadd.s32 s0, s18  }
0xe: {  	s25 =	simm.s32 $0x1;
	s12 =	sshrl.u32 s12, $0x3;
	s29 =	sshrl.u32 s26, $0x3  }
0xf: {  	s0 =	sshrl.u32 s0, $0x3;
	s19 =	smax.u32 s19, $0x1;
	s26 =	simm.s32 $0x4F00  }
0x10: {  	s13 =	sadd.s32 s5, s1;
	s5 =	sadd.s32 $0x1000, s1;
	s1 =	sadd.s32 $0xED600, s1  }
0x11: {  	s15 =	sadd.s32 $0xA8E00, s13;
	s13 =	sadd.s32 $0x9F000, s13;
	s14 =	sadd.s32 s1, s12  }
0x12: {  	v0 =	vimm.f32 $0.0e+00;
	s12 =	sshrl.u32 s31, $0x3;
	s18 =	sadd.s32 s1, s0;
	[dreg:$0x3] =	wrdreg s15  }
0x13: {  	v1 =	vimm.s32 $0x0;
	v2 =	vimm.s32 $0x1;
	vm0 =	vcmask $0x300;
	[dreg:$0x4] =	wrdreg s13;
	s13 =	smul.u32 $0x27800, s11;
	s11 =	sshrl.u32 s30, $0x3  }
0x14: {  	v3 =	vimm.s32 $0x2;
	v4 =	vimm.s32 $0x3;
	v5 =	vsel vm0, $0x3F800000, v0;
	s15 =	sadd.s32 s1, s29;
	s17 =	sadd.s32 s1, s12;
	s16 =	sadd.s32 s1, s11  }
.LBB2_1:
0x15: {  	s1 =	simm.s32 $0x140;
	s0 =	simm.s32 $0x0  }
.LBB2_2:
0x16: {  	p0 =	sne.s32 s1, $0x9B00;
	[tilespmem:s0+$0xB740] =	vst v0;
	s11 =	smov.u32 s1;
	s1 =	sadd.s32 $0x140, s1  }
.Ltmp0:
0x17: {  	[tilespmem:s0+$0xB730] =	vst v0;
	(pc) =	sbr.rel @p0 .LBB2_2-.Ltmp0, $4  }
0x18: {  	[tilespmem:s0+$0xB720] =	vst v0  }
0x19: {  	[tilespmem:s0+$0xB700] =	vst v0  }
0x1a: {  	[tilespmem:s0+$0xB710] =	vst v0  }
0x1b: {  	s0 =	sshra.s32 s11, $0x2  }
0x1c: {  	[tilespmem:s0+$0xB740] =	vst v0  }
0x1d: {  	[tilespmem:s0+$0xB730] =	vst v0  }
0x1e: {  	[tilespmem:s0+$0xB720] =	vst v0  }
0x1f: {  	[tilespmem:s0+$0xB700] =	vst v0  }
0x20: {  	[tilespmem:s0+$0xB710] =	vst v0  }
0x21: {  	[spmem:s6] =	stream.linear.scatter [tilespmem:s20], [sflag:$0x2], $0x2710, $0x38;
	[tilespmem:$0x1A250] =	vst v63  }
0x22: {  	_ =	swait.ge [sflag:s21], $0x2710  }
0x23: {  	[sflag:s21] =	ssyncset.done $0x0  }
0x24: {  	[sflag:s21] =	ssyncadd.s32 $0xFFFFD8F0  }
0x25: {  	[spmem:s7] =	stream.linear.scatter [tilespmem:s20], [sflag:$0x2], $0x2710, $0x38;
	[tilespmem:$0x1A250] =	vst v63  }
0x26: {  	_ =	swait.ge [sflag:s21], $0x2710  }
0x27: {  	[sflag:s21] =	ssyncset.done $0x0  }
0x28: {  	[sflag:s21] =	ssyncadd.s32 $0xFFFFD8F0  }
0x29: {  	[spmem:s8] =	stream.linear.scatter [tilespmem:s20], [sflag:$0x2], $0x2710, $0x38;
	[tilespmem:$0x1A250] =	vst v63  }
0x2a: {  	_ =	swait.ge [sflag:s21], $0x2710  }
0x2b: {  	[sflag:s21] =	ssyncset.done $0x0  }
0x2c: {  	[sflag:s21] =	ssyncadd.s32 $0xFFFFD8F0  }
0x2d: {  	[spmem:s9] =	stream.linear.scatter [tilespmem:s20], [sflag:$0x2], $0x2710, $0x38;
	[tilespmem:$0x1A250] =	vst v63  }
0x2e: {  	_ =	swait.ge [sflag:s21], $0x2710  }
0x2f: {  	[sflag:s21] =	ssyncset.done $0x0  }
0x30: {  	[sflag:s21] =	ssyncadd.s32 $0xFFFFD8F0  }
0x31: {  	[spmem:s10] =	stream.linear.scatter [tilespmem:s20], [sflag:$0x2], $0x2710, $0x38;
	[tilespmem:$0x1A250] =	vst v63  }
0x32: {  	_ =	swait.ge [sflag:s21], $0x2710  }
0x33: {  	[sflag:s21] =	ssyncset.done $0x0  }
0x34: {  	[sflag:s21] =	ssyncadd.s32 $0xFFFFD8F0  }
0x35: {  	[bflag:$0x0] =	sbarrier.arrive $0xFFFF  }
0x36: {  	s30 =	rddreg [dreg:$0x3]  }
0x37: {  	[tilespmem:s28], [sflag:$0x2] =	stream.linear.gather [hbm4b:s30+s28], $0x2780, $0x38;
	[tilespmem:$0x1A250] =	vst v63  }
0x38: {  	_ =	swait.ge [sflag:s21], $0x2780  }
0x39: {  	[sflag:s21] =	ssyncset.done $0x0  }
0x3a: {  	s1 =	simm.s32 $0x2780;
	s31 =	rddreg [dreg:$0x4];
	[sflag:s21] =	ssyncadd.s32 $0xFFFFD880  }
0x3b: {  	[tilespmem:s1], [sflag:$0x2] =	stream.linear.gather [hbm4b:s31+s28], $0x2780, $0x38;
	[tilespmem:$0x1A250] =	vst v63  }
0x3c: {  	_ =	swait.ge [sflag:s21], $0x2780  }
0x3d: {  	[sflag:s21] =	ssyncset.done $0x0  }
0x3e: {  	s29 =	simm.s32 $0x0;
	[sflag:s21] =	ssyncadd.s32 $0xFFFFD880  }
.LBB2_4:
0x3f: {  	s30 =	sshll.u32 s29, $0x7;
	s0 =	sshll.u32 s29, $0xB  }
0x40: {  	[tilespmem:s24], [sflag:$0x1] =	stream.indirect.gather [hbm4b:s4+s23], $0xC0, s30, s23, $0xb8;
	[tilespmem:$0x1A250] =	vst v63  }
0x41: {  	s0 =	sadd.s32 s13, s0;
	_ =	swait.ge [sflag:s25], $0x6000  }
0x42: {  	s0 =	sshrl.u32 s0, $0x3;
	[sflag:s25] =	ssyncset.done $0x0  }
0x43: {  	s0 =	sadd.s32 s5, s0;
	[sflag:s25] =	ssyncadd.s32 $0xFFFFA000  }
0x44: {  	[tilespmem:s26], [sflag:$0x2] =	stream.linear.gather [hbm4b:s0+s28], $0x800, $0x38;
	[tilespmem:$0x1A250] =	vst v63  }
0x45: {  	_ =	swait.ge [sflag:s21], $0x800  }
0x46: {  	[sflag:s21] =	ssyncset.done $0x0  }
0x47: {  	s22 =	simm.s32 $0x0;
	[sflag:s21] =	ssyncadd.s32 $0xFFFFF800  }
0x48: {  	s1 =	simm.s32 $0x5760;
	v9 =	vld [tilespmem:s22+$0x4F00]  }
0x49: {  	v10 =	vld [tilespmem:s1+$0xFFFFFFE0]  }
0x4a: {  	v12 =	vld [tilespmem:s1+$0xFFFFFFA0];
	_ =	sdelay $0x1  }
0x4b: {  	v11 =	vld [tilespmem:s1+$0x20]  }
0x4c: {  	s11 =	simm.s32 $0x40;
	v7 =	vperm.xlane v9, v1;
	v6 =	vperm.xlane v9, v2  }
0x4d: {  	s31 =	simm.s32 $0xB720;
	s0 =	simm.s32 $0x5760;
	s22 =	simm.s32 $0xB720;
	v8 =	vperm.xlane v9, v3;
	v9 =	vperm.xlane v9, v4  }
.LBB2_5:
0x4e: {  	p0 =	sne.s32 s11, $0x1FC0;
	v12 =	vmul.f32 v12, v7;
	v10 =	vmul.f32 v10, v6;
	s22 =	sadd.s32 $0x50, s22;
	s1 =	sadd.s32 $0xC0, s1  }
0x4f: {  	s12 =	smov.u32 s11;
	s11 =	sadd.s32 $0x40, s11  }
0x50: {  	v10 =	vadd.f32 v10, v12;
	v11 =	vmul.f32 v11, v8  }
0x51: {  	s12 =	sshra.s32 s12, $0x2  }
0x52: {  	v10 =	vadd.f32 v11, v10;
	_ =	sdelay $0x1  }
0x53: {  	[tilespmem:s31+$0xFFFFFFE0] =	vst v10  }
0x54: {  	v10 =	vld [tilespmem:s0+$0xFFFFFFB0]  }
0x55: {  	v11 =	vld [tilespmem:s0+$0xFFFFFFF0];
	_ =	sdelay $0x1  }
0x56: {  	v12 =	vld [tilespmem:s0+$0x30];
	_ =	sdelay $0x1  }
0x57: {  	v10 =	vmul.f32 v10, v7  }
0x58: {  	v11 =	vmul.f32 v11, v6;
	_ =	sdelay $0x1  }
0x59: {  	v10 =	vadd.f32 v11, v10;
	v11 =	vmul.f32 v12, v8;
	_ =	sdelay $0x1  }
0x5a: {  	v10 =	vadd.f32 v11, v10;
	_ =	sdelay $0x1  }
0x5b: {  	[tilespmem:s31+$0xFFFFFFF0] =	vst v10  }
0x5c: {  	v10 =	vld [tilespmem:s0+$0xFFFFFFC0]  }
0x5d: {  	v11 =	vld [tilespmem:s0+$0x0];
	_ =	sdelay $0x1  }
0x5e: {  	v12 =	vld [tilespmem:s0+$0x40];
	_ =	sdelay $0x1  }
0x5f: {  	v10 =	vmul.f32 v10, v7  }
0x60: {  	v11 =	vmul.f32 v11, v6;
	_ =	sdelay $0x1  }
0x61: {  	v10 =	vadd.f32 v11, v10;
	v11 =	vmul.f32 v12, v8;
	_ =	sdelay $0x1  }
0x62: {  	v10 =	vadd.f32 v11, v10;
	_ =	sdelay $0x1  }
0x63: {  	[tilespmem:s31+$0x0] =	vst v10  }
0x64: {  	v10 =	vld [tilespmem:s0+$0xFFFFFFD0]  }
0x65: {  	v9 =	vmul.f32 v5, v9;
	v11 =	vld [tilespmem:s0+$0x10]  }
0x66: {  	v12 =	vld [tilespmem:s0+$0x50];
	s0 =	smov.u32 s1  }
0x67: {  	[tilespmem:s31+$0x20] =	vst v9;
	_ =	sdelay $0x1  }
0x68: {  	v7 =	vmul.f32 v10, v7  }
0x69: {  	v6 =	vmul.f32 v11, v6  }
0x6a: {  	v8 =	vmul.f32 v12, v8  }
0x6b: {  	v6 =	vadd.f32 v6, v7;
	_ =	sdelay $0x1  }
0x6c: {  	v6 =	vadd.f32 v8, v6;
	_ =	sdelay $0x1  }
0x6d: {  	[tilespmem:s31+$0x10] =	vst v6;
	s31 =	smov.u32 s22  }
0x6e: {  	v9 =	vld [tilespmem:s12+$0x4F00]  }
0x6f: {  	v10 =	vld [tilespmem:s1+$0xFFFFFFE0]  }
.Ltmp1:
0x70: {  	v12 =	vld [tilespmem:s1+$0xFFFFFFA0];
	(pc) =	sbr.rel @p0 .LBB2_5-.Ltmp1, $4  }
0x71: {  	_ = 	snop  }
0x72: {  	v11 =	vld [tilespmem:s1+$0x20]  }
0x73: {  	v7 =	vperm.xlane v9, v1;
	v6 =	vperm.xlane v9, v2  }
0x74: {  	v8 =	vperm.xlane v9, v3;
	v9 =	vperm.xlane v9, v4  }
0x75: {  	v12 =	vmul.f32 v12, v7;
	v10 =	vmul.f32 v10, v6;
	_ =	sdelay $0x1  }
0x76: {  	v10 =	vadd.f32 v10, v12;
	v11 =	vmul.f32 v11, v8;
	_ =	sdelay $0x1  }
0x77: {  	v10 =	vadd.f32 v11, v10;
	_ =	sdelay $0x1  }
0x78: {  	[tilespmem:s31+$0xFFFFFFE0] =	vst v10  }
0x79: {  	v10 =	vld [tilespmem:s0+$0xFFFFFFB0]  }
0x7a: {  	v55 =	vld [tilespmem:s0+$0xFFFFFFF0];
	_ =	sdelay $0x1  }
0x7b: {  	v56 =	vld [tilespmem:s0+$0x30];
	_ =	sdelay $0x2  }
0x7c: {  	v10 =	vmul.f32 v10, v7;
	v11 =	vmul.f32 v55, v6;
	_ =	sdelay $0x1  }
0x7d: {  	v57 =	vmul.f32 v56, v8;
	v10 =	vadd.f32 v11, v10;
	_ =	sdelay $0x1  }
0x7e: {  	v10 =	vadd.f32 v57, v10;
	_ =	sdelay $0x1  }
0x7f: {  	[tilespmem:s31+$0xFFFFFFF0] =	vst v10  }
0x80: {  	v10 =	vld [tilespmem:s0+$0xFFFFFFC0]  }
0x81: {  	v58 =	vld [tilespmem:s0+$0x0];
	_ =	sdelay $0x1  }
0x82: {  	v59 =	vld [tilespmem:s0+$0x40];
	_ =	sdelay $0x2  }
0x83: {  	v10 =	vmul.f32 v10, v7;
	v11 =	vmul.f32 v58, v6;
	_ =	sdelay $0x1  }
0x84: {  	v60 =	vmul.f32 v59, v8;
	v10 =	vadd.f32 v11, v10;
	_ =	sdelay $0x1  }
0x85: {  	v10 =	vadd.f32 v60, v10;
	_ =	sdelay $0x1  }
0x86: {  	[tilespmem:s31+$0x0] =	vst v10  }
0x87: {  	v10 =	vld [tilespmem:s0+$0xFFFFFFD0]  }
0x88: {  	v61 =	vld [tilespmem:s0+$0x10];
	_ =	sdelay $0x1  }
0x89: {  	v62 =	vld [tilespmem:s0+$0x50];
	_ =	sdelay $0x2  }
0x8a: {  	v7 =	vmul.f32 v10, v7;
	v6 =	vmul.f32 v61, v6;
	_ =	sdelay $0x1  }
0x8b: {  	v63 =	vmul.f32 v62, v8;
	v6 =	vadd.f32 v6, v7  }
0x8c: {  	v7 =	vmul.f32 v5, v9  }
0x8d: {  	s29 =	sadd.s32 $0x1, s29;
	v6 =	vadd.f32 v63, v6  }
0x8e: {  	p0 =	sne.s32 s29, $0x4F;
	[tilespmem:s31+$0x20] =	vst v7  }
.Ltmp2:
0x8f: {  	[tilespmem:s31+$0x10] =	vst v6;
	s31 =	sadd.s32 $0x2780, s30;
	(pc) =	sbr.rel @p0 .LBB2_4-.Ltmp2, $4  }
0x90: {  	[spmem:s2] =	stream.indirect.scatter.add.f32 [tilespmem:s20], [sflag:$0x2], $0x50, s31, s23, $0xb8;
	[tilespmem:$0x1A250] =	vst v63  }
0x91: {  	_ =	swait.ge [sflag:s21], $0x2800  }
0x92: {  	[sflag:s21] =	ssyncset.done $0x0  }
0x93: {  	[sflag:s21] =	ssyncadd.s32 $0xFFFFD800  }
0x94: {  	s0 =	stileid.u32  }
0x95: {  	s0 =	sshll.u32 s0, $0x6  }
0x96: {  	[bflag:$0x0] =	sbarrier.arrive $0xFFFF;
	s1 =	sshrl.u32 s6, $0x3;
	s0 =	sor.u32 $0x1C02, s0  }
0x97: {  	[hbm:s14], [sflag:s0] =	dma.local [spmem:s1], $0x4E2  }
0x98: {  	_ =	swait.ge [sflag:s21], $0x4E2  }
0x99: {  	[sflag:s21] =	ssyncset.done $0x0  }
0x9a: {  	s22 =	sshrl.u32 s7, $0x3;
	[sflag:s21] =	ssyncadd.s32 $0xFFFFFB1E  }
0x9b: {  	[hbm:s15], [sflag:s0] =	dma.local [spmem:s22], $0x4E2  }
0x9c: {  	_ =	swait.ge [sflag:s21], $0x4E2  }
0x9d: {  	[sflag:s21] =	ssyncset.done $0x0  }
0x9e: {  	s29 =	sshrl.u32 s8, $0x3;
	[sflag:s21] =	ssyncadd.s32 $0xFFFFFB1E  }
0x9f: {  	[hbm:s16], [sflag:s0] =	dma.local [spmem:s29], $0x4E2  }
0xa0: {  	_ =	swait.ge [sflag:s21], $0x4E2  }
0xa1: {  	[sflag:s21] =	ssyncset.done $0x0  }
0xa2: {  	s30 =	sshrl.u32 s9, $0x3;
	[sflag:s21] =	ssyncadd.s32 $0xFFFFFB1E  }
0xa3: {  	[hbm:s17], [sflag:s0] =	dma.local [spmem:s30], $0x4E2  }
0xa4: {  	s3 =	sadd.s32 $0x1, s3;
	_ =	swait.ge [sflag:s21], $0x4E2  }
0xa5: {  	p0 =	sne.s32 s3, s19;
	[sflag:s21] =	ssyncset.done $0x0  }
.Ltmp3:
0xa6: {  	s31 =	sshrl.u32 s10, $0x3;
	[sflag:s21] =	ssyncadd.s32 $0xFFFFFB1E;
	(pc) =	sbr.rel @p0 .LBB2_1-.Ltmp3, $4  }
0xa7: {  	[hbm:s18], [sflag:s0] =	dma.local [spmem:s31], $0x4E2  }
0xa8: {  	_ =	swait.ge [sflag:s21], $0x4E2  }
0xa9: {  	[sflag:s21] =	ssyncset.done $0x0  }
0xaa: {  	[sflag:s21] =	ssyncadd.s32 $0xFFFFFB1E  }
0xab: {  	_ =	sfence.sel $0x180000  }
0xac: {  	[bflag:$0x0] =	sbarrier.arrive $0xFFFF  }
0xad: {  	_ =	strace $0x90000047  }
0xae: {  	s0 =	stileid.u32;
	[bflag:$0x2] =	sbarrier.arrive $0xFFFF  }
0xaf: {  	p0 =	sne.s32 s0, $0x0;
	s0 =	rddreg [dreg:$0x2]  }
0xb0: {  	s0 =	sadd.s32 @!p0 $0x100000, s0  }
0xb1: {  	[sflag:s0] =	ssyncadd.tile.s32 @!p0 $0x1;
	_ =	shalt  }
.Lfunc_end2:
_tile_overlayer_lowered:
.L_overlay_start_2:
0xb2: {  	(tag) =	ssettag $0x2  }
0xb3: {  	s0 =	rddreg [dreg:$0x0];
	s2 =	stileid.u32  }
0xb4: {  	s1 =	rddreg [dreg:$0x1];
	p0 =	sne.s32 s2, $0x0  }
0xb5: {  	s3 =	rddreg [dreg:$0x2];
	[bflag:$0x3] =	sbarrier.arrive $0xFFFF;
	s2 =	simm.s32 @!p0 $0x1C02  }
0xb6: {  	[timem:s3], [sflag:s2] =	dma.local @!p0 [hbm:s0], s1  }
0xb7: {  	s0 =	simm.s32 @!p0 $0x2  }
0xb8: {  	_ =	swait.ge @!p0 [sflag:s0], s1  }
0xb9: {  	s1 =	ssub.s32 @!p0 $0x0, s1;
	[sflag:s0] =	ssyncset.done @!p0 $0x0  }
0xba: {  	[sflag:s0] =	ssyncadd.s32 @!p0 s1  }
0xbb: {  	[bflag:$0x3] =	sbarrier.arrive $0xFFFF  }
0xbc: {  	_ =	shalt  }

</sc_bundles>
